<compile_context>
chip_gen: v7x
topology: tpu7x:2x2x1
jax: 0.10.2.dev20260603
libtpu: 0.0.44.dev20260713+nightly
codegen_flags: <defaults>
</compile_context>

<pallas_src>
import functools

import jax
import jax.numpy as jnp
from jax import lax
from jax.experimental import pallas as pl
from jax.experimental.pallas import tpu as pltpu
from jax.experimental.pallas import tpu_sc as plsc

N0 = 266240
N1 = 10240
N2 = 1024
E0 = 256000
E1 = 10240
F = 128
C = 32
DW = 16

NC = 2
NS = 16
NW = NC * NS

CH0, C0 = 64, 125
CH1, C1 = 4, 80

_mesh = plsc.VectorSubcoreMesh(core_axis_name="c", subcore_axis_name="s")


@functools.partial(
    pl.kernel,
    out_type=jax.ShapeDtypeStruct((NC, N1, F), jnp.float32),
    mesh=_mesh,
    scratch_types=[
        pltpu.VMEM((CH0, C0), jnp.int32),
        pltpu.VMEM((CH0, C0), jnp.int32),
        pltpu.VMEM((2, C0, F), jnp.float32),
        pltpu.VMEM_SHARED((N1, F), jnp.float32),
        pltpu.SemaphoreType.DMA,
    ],
)
def _sc_agg0(table_hbm, es_hbm, ed_hbm, zacc_hbm,
             acc_out,
             idx_s, idx_d, rows, acc_sh, gsem):
  cid = lax.axis_index("c")
  sid = lax.axis_index("s")
  wid = sid * NC + cid
  rpt = N1 // NS
  my = pl.ds(sid * rpt, rpt)
  pltpu.sync_copy(zacc_hbm.at[my], acc_sh.at[my])
  pltpu.sync_copy(es_hbm.at[wid], idx_s)
  pltpu.sync_copy(ed_hbm.at[wid], idx_d)
  plsc.subcore_barrier()

  def body(i, carry):
    j = i - 1
    jc = jnp.clip(j, 0, CH0 - 1)
    si = lax.rem(i, 2)
    sj = lax.rem(i + 1, 2)

    @pl.when(i > 0)
    def _():
      pltpu.make_async_copy(table_hbm.at[idx_s.at[jc]], rows.at[sj],
                            gsem).wait()

    @pl.when(i < CH0)
    def _():
      pltpu.async_copy(table_hbm.at[idx_s.at[i]], rows.at[si], gsem)

    @pl.when(i > 0)
    def _():
      pltpu.sync_copy(rows.at[sj], acc_sh.at[idx_d.at[jc]], add=True)

    return carry

  lax.fori_loop(0, CH0 + 1, body, 0)
  plsc.subcore_barrier()
  pltpu.sync_copy(acc_sh.at[my], acc_out.at[cid, my])


@functools.partial(
    pl.kernel,
    out_type=jax.ShapeDtypeStruct((NC, N1, F), jnp.float32),
    mesh=_mesh,
    scratch_types=[
        pltpu.VMEM((CH0, C0), jnp.int32),
        pltpu.VMEM((C0, F), jnp.float32),
        pltpu.VMEM_SHARED((N1, F), jnp.float32),
        pltpu.SemaphoreType.DMA,
    ],
)
def _sc_deg0(ed_hbm, zacc_hbm, ones_hbm,
             deg_out,
             idx_d, ones_v, deg_sh, ssem):
  cid = lax.axis_index("c")
  sid = lax.axis_index("s")
  wid = sid * NC + cid
  rpt = N1 // NS
  my = pl.ds(sid * rpt, rpt)
  pltpu.sync_copy(zacc_hbm.at[my], deg_sh.at[my])
  pltpu.sync_copy(ed_hbm.at[wid], idx_d)
  pltpu.sync_copy(ones_hbm, ones_v)
  plsc.subcore_barrier()

  def body_deg(j, carry):
    pltpu.async_copy(ones_v, deg_sh.at[idx_d.at[j]], ssem, add=True)
    return carry

  lax.fori_loop(0, CH0, body_deg, 0)

  def drain_deg(j, carry):
    pltpu.make_async_copy(ones_v, deg_sh.at[idx_d.at[0]], ssem).wait()
    return carry

  lax.fori_loop(0, CH0, drain_deg, 0)
  plsc.subcore_barrier()
  pltpu.sync_copy(deg_sh.at[my], deg_out.at[cid, my])


@functools.partial(
    pl.kernel,
    out_type=(
        jax.ShapeDtypeStruct((NC, N2, F), jnp.float32),
        jax.ShapeDtypeStruct((NC, N2, F), jnp.float32),
    ),
    mesh=_mesh,
    scratch_types=[
        pltpu.VMEM((CH1, C1), jnp.int32),
        pltpu.VMEM((CH1, C1), jnp.int32),
        pltpu.VMEM((C1, F), jnp.float32),
        pltpu.VMEM((C1, F), jnp.float32),
        pltpu.VMEM_SHARED((N2, F), jnp.float32),
        pltpu.VMEM_SHARED((N2, F), jnp.float32),
        pltpu.SemaphoreType.DMA,
        pltpu.SemaphoreType.DMA,
        pltpu.SemaphoreType.DMA,
    ],
)
def _sc_agg1(table_hbm, es_hbm, ed_hbm, zacc_hbm, ones_hbm,
             acc_out, deg_out,
             idx_s, idx_d, rows, ones_v, acc_sh, deg_sh, gsem, ssem0, ssem1):
  cid = lax.axis_index("c")
  sid = lax.axis_index("s")
  wid = sid * NC + cid
  rpt = N2 // NS
  my = pl.ds(sid * rpt, rpt)
  pltpu.sync_copy(zacc_hbm.at[my], acc_sh.at[my])
  pltpu.sync_copy(zacc_hbm.at[my], deg_sh.at[my])
  pltpu.sync_copy(es_hbm.at[wid], idx_s)
  pltpu.sync_copy(ed_hbm.at[wid], idx_d)
  pltpu.sync_copy(ones_hbm, ones_v)
  plsc.subcore_barrier()

  def body(j, carry):
    pltpu.async_copy(table_hbm.at[idx_s.at[j]], rows, gsem).wait()
    pltpu.async_copy(rows, acc_sh.at[idx_d.at[j]], ssem0, add=True)
    pltpu.async_copy(ones_v, deg_sh.at[idx_d.at[j]], ssem1, add=True)
    pltpu.make_async_copy(rows, acc_sh.at[idx_d.at[j]], ssem0).wait()
    pltpu.make_async_copy(ones_v, deg_sh.at[idx_d.at[j]], ssem1).wait()
    return carry

  lax.fori_loop(0, CH1, body, 0)
  plsc.subcore_barrier()
  pltpu.sync_copy(acc_sh.at[my], acc_out.at[cid, my])
  pltpu.sync_copy(deg_sh.at[my], deg_out.at[cid, my])


def _tc1_body(x_ref, acc_ref, deg_ref, ws_ref, wn_ref, b_ref, h_ref):
  a = acc_ref[...]
  dg = deg_ref[...]
  d = (dg[0] + dg[1])[:, 0:1]
  inv = 1.0 / jnp.maximum(d, 1.0)
  hn = (a[0] + a[1]) * inv
  h = (jnp.dot(x_ref[...], ws_ref[...], preferred_element_type=jnp.float32)
       + jnp.dot(hn, wn_ref[...], preferred_element_type=jnp.float32)
       + b_ref[...])
  h_ref[...] = jnp.maximum(h, 0.0)


def _tc2_body(h_ref, acc_ref, deg_ref, ws_ref, wn_ref, b_ref, o_ref):
  a = acc_ref[...]
  dg = deg_ref[...]
  d = (dg[0] + dg[1])[:, 0:1]
  inv = 1.0 / jnp.maximum(d, 1.0)
  hn = (a[0] + a[1]) * inv
  o_ref[...] = (jnp.dot(h_ref[...], ws_ref[...],
                        preferred_element_type=jnp.float32)
                + jnp.dot(hn, wn_ref[...], preferred_element_type=jnp.float32)
                + b_ref[...])


_BT = 1024


def kernel(x, edge_src0, edge_dst0, edge_src1, edge_dst1,
           W_self1, W_neigh1, b1, W_self2, W_neigh2, b2):
  es0 = edge_src0.reshape(NW, CH0, C0)
  ed0 = edge_dst0.reshape(NW, CH0, C0)
  es1 = edge_src1.reshape(NW, CH1, C1)
  ed1 = edge_dst1.reshape(NW, CH1, C1)

  zacc0 = jnp.zeros((N1, F), jnp.float32)
  ones0 = jnp.ones((C0, F), jnp.float32)
  acc = _sc_agg0(x, es0, ed0, zacc0)
  deg = _sc_deg0(ed0, zacc0, ones0)

  h = pl.pallas_call(
      _tc1_body,
      grid=(N1 // _BT,),
      in_specs=[
          pl.BlockSpec((_BT, F), lambda i: (i, 0)),
          pl.BlockSpec((NC, _BT, F), lambda i: (0, i, 0)),
          pl.BlockSpec((NC, _BT, F), lambda i: (0, i, 0)),
          pl.BlockSpec((F, F), lambda i: (0, 0)),
          pl.BlockSpec((F, F), lambda i: (0, 0)),
          pl.BlockSpec((1, F), lambda i: (0, 0)),
      ],
      out_specs=pl.BlockSpec((_BT, F), lambda i: (i, 0)),
      out_shape=jax.ShapeDtypeStruct((N1, F), jnp.float32),
  )(x, acc, deg, W_self1, W_neigh1, b1.reshape(1, F))

  zacc1 = jnp.zeros((N2, F), jnp.float32)
  ones1 = jnp.ones((C1, F), jnp.float32)
  acc2, deg2 = _sc_agg1(h, es1, ed1, zacc1, ones1)

  out = pl.pallas_call(
      _tc2_body,
      grid=(1,),
      in_specs=[
          pl.BlockSpec((N2, F), lambda i: (0, 0)),
          pl.BlockSpec((NC, N2, F), lambda i: (0, 0, 0)),
          pl.BlockSpec((NC, N2, F), lambda i: (0, 0, 0)),
          pl.BlockSpec((F, C), lambda i: (0, 0)),
          pl.BlockSpec((F, C), lambda i: (0, 0)),
          pl.BlockSpec((1, C), lambda i: (0, 0)),
      ],
      out_specs=pl.BlockSpec((N2, C), lambda i: (i, 0)),
      out_shape=jax.ShapeDtypeStruct((N2, C), jnp.float32),
  )(h, acc2, deg2, W_self2, W_neigh2, b2.reshape(1, C))
  return out

# --- scband reference (transcript-rebuilt; emitter-appended) ---
"""Pipeline reference for scband-sage-4604204941856 (READ-ONLY COPY).

The authoritative reference and input builder live on the scoring server;
editing this copy changes nothing except your own understanding.
"""

import jax, jax.numpy as jnp
import numpy as np

N0 = 266240  # src nodes of block 0
N1 = 10240   # dst nodes of block 0 == src nodes of block 1
N2 = 1024    # dst nodes of block 1 (seed nodes)
E0 = 256000
E1 = 10240
IN_FEATS = 128
H_FEATS = 128
NUM_CLASSES = 32


def setup_inputs(seed: int = 0) -> dict:
    key = jax.random.key(seed)
    ks = jax.random.split(key, 12)
    x = jax.random.normal(ks[0], (N0, IN_FEATS), dtype=jnp.float32)
    edge_src0 = jax.random.randint(ks[1], (E0,), 0, N0, dtype=jnp.int32)
    edge_dst0 = jax.random.randint(ks[2], (E0,), 0, N1, dtype=jnp.int32)
    edge_src1 = jax.random.randint(ks[3], (E1,), 0, N1, dtype=jnp.int32)
    edge_dst1 = jax.random.randint(ks[4], (E1,), 0, N2, dtype=jnp.int32)
    s1 = 1.0 / np.sqrt(IN_FEATS)
    s2 = 1.0 / np.sqrt(H_FEATS)
    W_self1 = jax.random.uniform(ks[5], (IN_FEATS, H_FEATS), jnp.float32, -s1, s1)
    W_neigh1 = jax.random.uniform(ks[6], (IN_FEATS, H_FEATS), jnp.float32, -s1, s1)
    b1 = jnp.zeros((H_FEATS,), dtype=jnp.float32)
    W_self2 = jax.random.uniform(ks[7], (H_FEATS, NUM_CLASSES), jnp.float32, -s2, s2)
    W_neigh2 = jax.random.uniform(ks[8], (H_FEATS, NUM_CLASSES), jnp.float32, -s2, s2)
    b2 = jnp.zeros((NUM_CLASSES,), dtype=jnp.float32)
    return {
        'x': x,
        'edge_src0': edge_src0, 'edge_dst0': edge_dst0,
        'edge_src1': edge_src1, 'edge_dst1': edge_dst1,
        'W_self1': W_self1, 'W_neigh1': W_neigh1, 'b1': b1,
        'W_self2': W_self2, 'W_neigh2': W_neigh2, 'b2': b2,
    }


def _sage_conv(h_src, h_dst, edge_src, edge_dst, num_dst, W_self, W_neigh, b):
    # DGL SAGEConv, aggregator_type='mean':
    # h_neigh = mean_{u in N(v)} h_src[u];  out = h_dst @ W_self + h_neigh @ W_neigh + b
    msg = h_src[edge_src]                                     # gather [E, d]
    agg = jax.ops.segment_sum(msg, edge_dst, num_segments=num_dst)   # scatter-add
    deg = jax.ops.segment_sum(jnp.ones((edge_dst.shape[0],), dtype=h_src.dtype),
                              edge_dst, num_segments=num_dst)
    h_neigh = agg / jnp.clip(deg, 1.0, None)[:, None]
    return h_dst @ W_self + h_neigh @ W_neigh + b


def reference(x, edge_src0, edge_dst0, edge_src1, edge_dst1,
              W_self1, W_neigh1, b1, W_self2, W_neigh2, b2):
    # layer 1: h_dst = x[:num_dst_nodes(block0)]
    h_dst = x[:N1]
    h = _sage_conv(x, h_dst, edge_src0, edge_dst0, N1, W_self1, W_neigh1, b1)
    h = jax.nn.relu(h)
    # layer 2: h_dst = h[:num_dst_nodes(block1)]
    h_dst2 = h[:N2]
    out = _sage_conv(h, h_dst2, edge_src1, edge_dst1, N2, W_self2, W_neigh2, b2)
    return out

if __name__ == "__main__":
    import jax
    _d = setup_inputs()
    print(jax.jit(kernel)(*tuple(_d.values())))

</pallas_src>

<mosaic_0001>
#map = affine_map<(d0, d1) -> (0, 0)>
#map1 = affine_map<(d0, d1) -> (0, 0, 0)>
module attributes {stable_mosaic.version = 14 : i64} {
  func.func @_sc_agg1(%arg0: i32, %arg1: i32, %arg2: memref<10240x128xf32, #tpu.memory_space<hbm>>, %arg3: memref<32x4x80xi32, #tpu.memory_space<hbm>>, %arg4: memref<32x4x80xi32, #tpu.memory_space<hbm>>, %arg5: memref<1024x128xf32, #tpu.memory_space<hbm>>, %arg6: memref<80x128xf32, #tpu.memory_space<hbm>>, %arg7: memref<2x1024x128xf32, #tpu.memory_space<hbm>>, %arg8: memref<2x1024x128xf32, #tpu.memory_space<hbm>>, %arg9: memref<4x80xi32, #tpu.memory_space<vmem>>, %arg10: memref<4x80xi32, #tpu.memory_space<vmem>>, %arg11: memref<80x128xf32, #tpu.memory_space<vmem>>, %arg12: memref<80x128xf32, #tpu.memory_space<vmem>>, %arg13: memref<1024x128xf32, #tpu.memory_space<vmem_shared>>, %arg14: memref<1024x128xf32, #tpu.memory_space<vmem_shared>>, %arg15: memref<!tpu.dma_semaphore, #tpu.memory_space<semaphore_mem>>, %arg16: memref<!tpu.dma_semaphore, #tpu.memory_space<semaphore_mem>>, %arg17: memref<!tpu.dma_semaphore, #tpu.memory_space<semaphore_mem>>) attributes {dimension_semantics = [#tpu.dimension_semantics<core_parallel>, #tpu.dimension_semantics<subcore_parallel>], iteration_bounds = array<i64: 2, 16>, scalar_prefetch = 0 : i64, scratch_operands = 9 : i64, tpu.core_type = #tpu.core_type<sc_vector_subcore>, window_params = [{transform_indices = #map}, {transform_indices = #map1}, {transform_indices = #map1}, {transform_indices = #map}, {transform_indices = #map}, {transform_indices = #map1}, {transform_indices = #map1}]} {
    %mul3A = arith.constant 2 : i32
    %mul3A_0 = arith.muli %arg1, %mul3A : i32
    %add3A = arith.addi %mul3A_0, %arg0 : i32
    %mul3A_1 = arith.constant 64 : i32
    %mul3A_2 = arith.muli %arg1, %mul3A_1 : i32
    "tpu.region"() ({
      %run_scoped3A = tpu.sem_alloc : memref<!tpu.dma_semaphore, #tpu.memory_space<semaphore_mem>>
      %dma_start3A = arith.constant 0 : i32
      %dma_start3A_9 = tpu.memref_slice %arg13[%mul3A_2, %dma_start3A] : memref<1024x128xf32, #tpu.memory_space<vmem_shared>> -> memref<64x128xf32, #tpu.memory_space<vmem_shared>>
      %dma_start3A_10 = arith.constant 0 : i32
      %dma_start3A_11 = tpu.memref_slice %arg5[%mul3A_2, %dma_start3A_10] : memref<1024x128xf32, #tpu.memory_space<hbm>> -> memref<64x128xf32, #tpu.memory_space<hbm>>
      tpu.enqueue_dma source(%dma_start3A_11 : memref<64x128xf32, #tpu.memory_space<hbm>>) target(%dma_start3A_9 : memref<64x128xf32, #tpu.memory_space<vmem_shared>>) target_semaphore(%run_scoped3A : memref<!tpu.dma_semaphore, #tpu.memory_space<semaphore_mem>>)
      %dma_wait3A = arith.constant 0 : i32
      %dma_wait3A_12 = tpu.memref_slice %arg13[%mul3A_2, %dma_wait3A] : memref<1024x128xf32, #tpu.memory_space<vmem_shared>> -> memref<64x128xf32, #tpu.memory_space<vmem_shared>>
      %dma_wait3A_13 = arith.constant 0 : i32
      %dma_wait3A_14 = tpu.memref_slice %arg5[%mul3A_2, %dma_wait3A_13] : memref<1024x128xf32, #tpu.memory_space<hbm>> -> memref<64x128xf32, #tpu.memory_space<hbm>>
      tpu.wait_dma2 semaphore(%run_scoped3A : memref<!tpu.dma_semaphore, #tpu.memory_space<semaphore_mem>>) src(%dma_wait3A_14 : memref<64x128xf32, #tpu.memory_space<hbm>>) dst(%dma_wait3A_12 : memref<64x128xf32, #tpu.memory_space<vmem_shared>>)
      tpu.yield
    }) : () -> ()
    "tpu.region"() ({
      %run_scoped3A = tpu.sem_alloc : memref<!tpu.dma_semaphore, #tpu.memory_space<semaphore_mem>>
      %dma_start3A = arith.constant 0 : i32
      %dma_start3A_9 = tpu.memref_slice %arg14[%mul3A_2, %dma_start3A] : memref<1024x128xf32, #tpu.memory_space<vmem_shared>> -> memref<64x128xf32, #tpu.memory_space<vmem_shared>>
      %dma_start3A_10 = arith.constant 0 : i32
      %dma_start3A_11 = tpu.memref_slice %arg5[%mul3A_2, %dma_start3A_10] : memref<1024x128xf32, #tpu.memory_space<hbm>> -> memref<64x128xf32, #tpu.memory_space<hbm>>
      tpu.enqueue_dma source(%dma_start3A_11 : memref<64x128xf32, #tpu.memory_space<hbm>>) target(%dma_start3A_9 : memref<64x128xf32, #tpu.memory_space<vmem_shared>>) target_semaphore(%run_scoped3A : memref<!tpu.dma_semaphore, #tpu.memory_space<semaphore_mem>>)
      %dma_wait3A = arith.constant 0 : i32
      %dma_wait3A_12 = tpu.memref_slice %arg14[%mul3A_2, %dma_wait3A] : memref<1024x128xf32, #tpu.memory_space<vmem_shared>> -> memref<64x128xf32, #tpu.memory_space<vmem_shared>>
      %dma_wait3A_13 = arith.constant 0 : i32
      %dma_wait3A_14 = tpu.memref_slice %arg5[%mul3A_2, %dma_wait3A_13] : memref<1024x128xf32, #tpu.memory_space<hbm>> -> memref<64x128xf32, #tpu.memory_space<hbm>>
      tpu.wait_dma2 semaphore(%run_scoped3A : memref<!tpu.dma_semaphore, #tpu.memory_space<semaphore_mem>>) src(%dma_wait3A_14 : memref<64x128xf32, #tpu.memory_space<hbm>>) dst(%dma_wait3A_12 : memref<64x128xf32, #tpu.memory_space<vmem_shared>>)
      tpu.yield
    }) : () -> ()
    "tpu.region"() ({
      %run_scoped3A = tpu.sem_alloc : memref<!tpu.dma_semaphore, #tpu.memory_space<semaphore_mem>>
      %dma_start3A = arith.constant 0 : i32
      %dma_start3A_9 = arith.constant 0 : i32
      %dma_start3A_10 = tpu.memref_slice %arg3[%add3A, %dma_start3A, %dma_start3A_9] : memref<32x4x80xi32, #tpu.memory_space<hbm>> -> memref<1x4x80xi32, #tpu.memory_space<hbm>>
      %dma_start3A_11 = tpu.memref_squeeze %dma_start3A_10 : memref<1x4x80xi32, #tpu.memory_space<hbm>> -> memref<4x80xi32, #tpu.memory_space<hbm>>
      %dma_start3A_12 = arith.constant 0 : i32
      %dma_start3A_13 = arith.constant 0 : i32
      %dma_start3A_14 = tpu.memref_slice %arg3[%add3A, %dma_start3A_12, %dma_start3A_13] : memref<32x4x80xi32, #tpu.memory_space<hbm>> -> memref<1x4x80xi32, #tpu.memory_space<hbm>>
      %dma_start3A_15 = tpu.memref_squeeze %dma_start3A_14 : memref<1x4x80xi32, #tpu.memory_space<hbm>> -> memref<4x80xi32, #tpu.memory_space<hbm>>
      tpu.enqueue_dma source(%dma_start3A_15 : memref<4x80xi32, #tpu.memory_space<hbm>>) target(%arg9 : memref<4x80xi32, #tpu.memory_space<vmem>>) target_semaphore(%run_scoped3A : memref<!tpu.dma_semaphore, #tpu.memory_space<semaphore_mem>>)
      %dma_wait3A = arith.constant 0 : i32
      %dma_wait3A_16 = arith.constant 0 : i32
      %dma_wait3A_17 = tpu.memref_slice %arg3[%add3A, %dma_wait3A, %dma_wait3A_16] : memref<32x4x80xi32, #tpu.memory_space<hbm>> -> memref<1x4x80xi32, #tpu.memory_space<hbm>>
      %dma_wait3A_18 = tpu.memref_squeeze %dma_wait3A_17 : memref<1x4x80xi32, #tpu.memory_space<hbm>> -> memref<4x80xi32, #tpu.memory_space<hbm>>
      %dma_wait3A_19 = arith.constant 0 : i32
      %dma_wait3A_20 = arith.constant 0 : i32
      %dma_wait3A_21 = tpu.memref_slice %arg3[%add3A, %dma_wait3A_19, %dma_wait3A_20] : memref<32x4x80xi32, #tpu.memory_space<hbm>> -> memref<1x4x80xi32, #tpu.memory_space<hbm>>
      %dma_wait3A_22 = tpu.memref_squeeze %dma_wait3A_21 : memref<1x4x80xi32, #tpu.memory_space<hbm>> -> memref<4x80xi32, #tpu.memory_space<hbm>>
      tpu.wait_dma2 semaphore(%run_scoped3A : memref<!tpu.dma_semaphore, #tpu.memory_space<semaphore_mem>>) src(%dma_wait3A_22 : memref<4x80xi32, #tpu.memory_space<hbm>>) dst(%arg9 : memref<4x80xi32, #tpu.memory_space<vmem>>)
      tpu.yield
    }) : () -> ()
    "tpu.region"() ({
      %run_scoped3A = tpu.sem_alloc : memref<!tpu.dma_semaphore, #tpu.memory_space<semaphore_mem>>
      %dma_start3A = arith.constant 0 : i32
      %dma_start3A_9 = arith.constant 0 : i32
      %dma_start3A_10 = tpu.memref_slice %arg4[%add3A, %dma_start3A, %dma_start3A_9] : memref<32x4x80xi32, #tpu.memory_space<hbm>> -> memref<1x4x80xi32, #tpu.memory_space<hbm>>
      %dma_start3A_11 = tpu.memref_squeeze %dma_start3A_10 : memref<1x4x80xi32, #tpu.memory_space<hbm>> -> memref<4x80xi32, #tpu.memory_space<hbm>>
      %dma_start3A_12 = arith.constant 0 : i32
      %dma_start3A_13 = arith.constant 0 : i32
      %dma_start3A_14 = tpu.memref_slice %arg4[%add3A, %dma_start3A_12, %dma_start3A_13] : memref<32x4x80xi32, #tpu.memory_space<hbm>> -> memref<1x4x80xi32, #tpu.memory_space<hbm>>
      %dma_start3A_15 = tpu.memref_squeeze %dma_start3A_14 : memref<1x4x80xi32, #tpu.memory_space<hbm>> -> memref<4x80xi32, #tpu.memory_space<hbm>>
      tpu.enqueue_dma source(%dma_start3A_15 : memref<4x80xi32, #tpu.memory_space<hbm>>) target(%arg10 : memref<4x80xi32, #tpu.memory_space<vmem>>) target_semaphore(%run_scoped3A : memref<!tpu.dma_semaphore, #tpu.memory_space<semaphore_mem>>)
      %dma_wait3A = arith.constant 0 : i32
      %dma_wait3A_16 = arith.constant 0 : i32
      %dma_wait3A_17 = tpu.memref_slice %arg4[%add3A, %dma_wait3A, %dma_wait3A_16] : memref<32x4x80xi32, #tpu.memory_space<hbm>> -> memref<1x4x80xi32, #tpu.memory_space<hbm>>
      %dma_wait3A_18 = tpu.memref_squeeze %dma_wait3A_17 : memref<1x4x80xi32, #tpu.memory_space<hbm>> -> memref<4x80xi32, #tpu.memory_space<hbm>>
      %dma_wait3A_19 = arith.constant 0 : i32
      %dma_wait3A_20 = arith.constant 0 : i32
      %dma_wait3A_21 = tpu.memref_slice %arg4[%add3A, %dma_wait3A_19, %dma_wait3A_20] : memref<32x4x80xi32, #tpu.memory_space<hbm>> -> memref<1x4x80xi32, #tpu.memory_space<hbm>>
      %dma_wait3A_22 = tpu.memref_squeeze %dma_wait3A_21 : memref<1x4x80xi32, #tpu.memory_space<hbm>> -> memref<4x80xi32, #tpu.memory_space<hbm>>
      tpu.wait_dma2 semaphore(%run_scoped3A : memref<!tpu.dma_semaphore, #tpu.memory_space<semaphore_mem>>) src(%dma_wait3A_22 : memref<4x80xi32, #tpu.memory_space<hbm>>) dst(%arg10 : memref<4x80xi32, #tpu.memory_space<vmem>>)
      tpu.yield
    }) : () -> ()
    "tpu.region"() ({
      %run_scoped3A = tpu.sem_alloc : memref<!tpu.dma_semaphore, #tpu.memory_space<semaphore_mem>>
      tpu.enqueue_dma source(%arg6 : memref<80x128xf32, #tpu.memory_space<hbm>>) target(%arg12 : memref<80x128xf32, #tpu.memory_space<vmem>>) target_semaphore(%run_scoped3A : memref<!tpu.dma_semaphore, #tpu.memory_space<semaphore_mem>>)
      tpu.wait_dma2 semaphore(%run_scoped3A : memref<!tpu.dma_semaphore, #tpu.memory_space<semaphore_mem>>) src(%arg6 : memref<80x128xf32, #tpu.memory_space<hbm>>) dst(%arg12 : memref<80x128xf32, #tpu.memory_space<vmem>>)
      tpu.yield
    }) : () -> ()
    %barrier3A = arith.constant 0 : index
    tpu.barrier barrier_id(%barrier3A)
    %scan3A = arith.constant 0 : i32
    %scan3A_3 = arith.constant 0 : i32
    %scan3A_4 = arith.constant 4 : i32
    %scan3A_5 = arith.addi %scan3A_3, %scan3A_4 : i32
    %scan3A_6 = arith.constant 1 : i32
    scf.for %scan3A_9 = %scan3A_3 to %scan3A_5 step %scan3A_6  : i32 {
      %dma_start3A = arith.constant 0 : i32
      %dma_start3A_10 = tpu.memref_slice %arg9[%scan3A_9, %dma_start3A] : memref<4x80xi32, #tpu.memory_space<vmem>> -> memref<1x80xi32, #tpu.memory_space<vmem>>
      %dma_start3A_11 = tpu.memref_squeeze %dma_start3A_10 : memref<1x80xi32, #tpu.memory_space<vmem>> -> memref<80xi32, #tpu.memory_space<vmem>>
      %dma_start3A_12 = arith.constant 0 : i32
      %dma_start3A_13 = arith.constant 0 : i32
      %dma_start3A_14 = tpu.memref_slice %arg2[%dma_start3A_12, %dma_start3A_13] : memref<10240x128xf32, #tpu.memory_space<hbm>> -> memref<10240x128xf32, #tpu.memory_space<hbm>>
      tpu.enqueue_indirect_dma source(%dma_start3A_14 : memref<10240x128xf32, #tpu.memory_space<hbm>>) target(%arg11 : memref<80x128xf32, #tpu.memory_space<vmem>>) offsets(%dma_start3A_11 : memref<80xi32, #tpu.memory_space<vmem>>) semaphore(%arg15 : memref<!tpu.dma_semaphore, #tpu.memory_space<semaphore_mem>>)
      %dma_wait3A = arith.constant 0 : i32
      %dma_wait3A_15 = tpu.memref_slice %arg9[%scan3A_9, %dma_wait3A] : memref<4x80xi32, #tpu.memory_space<vmem>> -> memref<1x80xi32, #tpu.memory_space<vmem>>
      %dma_wait3A_16 = tpu.memref_squeeze %dma_wait3A_15 : memref<1x80xi32, #tpu.memory_space<vmem>> -> memref<80xi32, #tpu.memory_space<vmem>>
      %dma_wait3A_17 = arith.constant 0 : i32
      %dma_wait3A_18 = arith.constant 0 : i32
      %dma_wait3A_19 = tpu.memref_slice %arg2[%dma_wait3A_17, %dma_wait3A_18] : memref<10240x128xf32, #tpu.memory_space<hbm>> -> memref<10240x128xf32, #tpu.memory_space<hbm>>
      tpu.wait_indirect_dma semaphore(%arg15 : memref<!tpu.dma_semaphore, #tpu.memory_space<semaphore_mem>>) src(%dma_wait3A_19 : memref<10240x128xf32, #tpu.memory_space<hbm>>) dst(%arg11 : memref<80x128xf32, #tpu.memory_space<vmem>>)
      %dma_start3A_20 = arith.constant 0 : i32
      %dma_start3A_21 = tpu.memref_slice %arg10[%scan3A_9, %dma_start3A_20] : memref<4x80xi32, #tpu.memory_space<vmem>> -> memref<1x80xi32, #tpu.memory_space<vmem>>
      %dma_start3A_22 = tpu.memref_squeeze %dma_start3A_21 : memref<1x80xi32, #tpu.memory_space<vmem>> -> memref<80xi32, #tpu.memory_space<vmem>>
      %dma_start3A_23 = arith.constant 0 : i32
      %dma_start3A_24 = arith.constant 0 : i32
      %dma_start3A_25 = tpu.memref_slice %arg13[%dma_start3A_23, %dma_start3A_24] : memref<1024x128xf32, #tpu.memory_space<vmem_shared>> -> memref<1024x128xf32, #tpu.memory_space<vmem_shared>>
      tpu.enqueue_indirect_dma source(%arg11 : memref<80x128xf32, #tpu.memory_space<vmem>>) target(%dma_start3A_25 : memref<1024x128xf32, #tpu.memory_space<vmem_shared>>) offsets(%dma_start3A_22 : memref<80xi32, #tpu.memory_space<vmem>>) semaphore(%arg16 : memref<!tpu.dma_semaphore, #tpu.memory_space<semaphore_mem>>) {add = true}
      %dma_start3A_26 = arith.constant 0 : i32
      %dma_start3A_27 = tpu.memref_slice %arg10[%scan3A_9, %dma_start3A_26] : memref<4x80xi32, #tpu.memory_space<vmem>> -> memref<1x80xi32, #tpu.memory_space<vmem>>
      %dma_start3A_28 = tpu.memref_squeeze %dma_start3A_27 : memref<1x80xi32, #tpu.memory_space<vmem>> -> memref<80xi32, #tpu.memory_space<vmem>>
      %dma_start3A_29 = arith.constant 0 : i32
      %dma_start3A_30 = arith.constant 0 : i32
      %dma_start3A_31 = tpu.memref_slice %arg14[%dma_start3A_29, %dma_start3A_30] : memref<1024x128xf32, #tpu.memory_space<vmem_shared>> -> memref<1024x128xf32, #tpu.memory_space<vmem_shared>>
      tpu.enqueue_indirect_dma source(%arg12 : memref<80x128xf32, #tpu.memory_space<vmem>>) target(%dma_start3A_31 : memref<1024x128xf32, #tpu.memory_space<vmem_shared>>) offsets(%dma_start3A_28 : memref<80xi32, #tpu.memory_space<vmem>>) semaphore(%arg17 : memref<!tpu.dma_semaphore, #tpu.memory_space<semaphore_mem>>) {add = true}
      %dma_wait3A_32 = arith.constant 0 : i32
      %dma_wait3A_33 = tpu.memref_slice %arg10[%scan3A_9, %dma_wait3A_32] : memref<4x80xi32, #tpu.memory_space<vmem>> -> memref<1x80xi32, #tpu.memory_space<vmem>>
      %dma_wait3A_34 = tpu.memref_squeeze %dma_wait3A_33 : memref<1x80xi32, #tpu.memory_space<vmem>> -> memref<80xi32, #tpu.memory_space<vmem>>
      %dma_wait3A_35 = arith.constant 0 : i32
      %dma_wait3A_36 = arith.constant 0 : i32
      %dma_wait3A_37 = tpu.memref_slice %arg13[%dma_wait3A_35, %dma_wait3A_36] : memref<1024x128xf32, #tpu.memory_space<vmem_shared>> -> memref<1024x128xf32, #tpu.memory_space<vmem_shared>>
      tpu.wait_indirect_dma semaphore(%arg16 : memref<!tpu.dma_semaphore, #tpu.memory_space<semaphore_mem>>) src(%arg11 : memref<80x128xf32, #tpu.memory_space<vmem>>) dst(%dma_wait3A_37 : memref<1024x128xf32, #tpu.memory_space<vmem_shared>>)
      %dma_wait3A_38 = arith.constant 0 : i32
      %dma_wait3A_39 = tpu.memref_slice %arg10[%scan3A_9, %dma_wait3A_38] : memref<4x80xi32, #tpu.memory_space<vmem>> -> memref<1x80xi32, #tpu.memory_space<vmem>>
      %dma_wait3A_40 = tpu.memref_squeeze %dma_wait3A_39 : memref<1x80xi32, #tpu.memory_space<vmem>> -> memref<80xi32, #tpu.memory_space<vmem>>
      %dma_wait3A_41 = arith.constant 0 : i32
      %dma_wait3A_42 = arith.constant 0 : i32
      %dma_wait3A_43 = tpu.memref_slice %arg14[%dma_wait3A_41, %dma_wait3A_42] : memref<1024x128xf32, #tpu.memory_space<vmem_shared>> -> memref<1024x128xf32, #tpu.memory_space<vmem_shared>>
      tpu.wait_indirect_dma semaphore(%arg17 : memref<!tpu.dma_semaphore, #tpu.memory_space<semaphore_mem>>) src(%arg12 : memref<80x128xf32, #tpu.memory_space<vmem>>) dst(%dma_wait3A_43 : memref<1024x128xf32, #tpu.memory_space<vmem_shared>>)
    }
    %scan3A_7 = arith.constant 4 : i32
    %barrier3A_8 = arith.constant 0 : index
    tpu.barrier barrier_id(%barrier3A_8)
    "tpu.region"() ({
      %run_scoped3A = tpu.sem_alloc : memref<!tpu.dma_semaphore, #tpu.memory_space<semaphore_mem>>
      %dma_start3A = arith.constant 0 : i32
      %dma_start3A_9 = tpu.memref_slice %arg7[%arg0, %mul3A_2, %dma_start3A] : memref<2x1024x128xf32, #tpu.memory_space<hbm>> -> memref<1x64x128xf32, #tpu.memory_space<hbm>>
      %dma_start3A_10 = tpu.memref_squeeze %dma_start3A_9 : memref<1x64x128xf32, #tpu.memory_space<hbm>> -> memref<64x128xf32, #tpu.memory_space<hbm>>
      %dma_start3A_11 = arith.constant 0 : i32
      %dma_start3A_12 = tpu.memref_slice %arg13[%mul3A_2, %dma_start3A_11] : memref<1024x128xf32, #tpu.memory_space<vmem_shared>> -> memref<64x128xf32, #tpu.memory_space<vmem_shared>>
      tpu.enqueue_dma source(%dma_start3A_12 : memref<64x128xf32, #tpu.memory_space<vmem_shared>>) target(%dma_start3A_10 : memref<64x128xf32, #tpu.memory_space<hbm>>) target_semaphore(%run_scoped3A : memref<!tpu.dma_semaphore, #tpu.memory_space<semaphore_mem>>)
      %dma_wait3A = arith.constant 0 : i32
      %dma_wait3A_13 = tpu.memref_slice %arg7[%arg0, %mul3A_2, %dma_wait3A] : memref<2x1024x128xf32, #tpu.memory_space<hbm>> -> memref<1x64x128xf32, #tpu.memory_space<hbm>>
      %dma_wait3A_14 = tpu.memref_squeeze %dma_wait3A_13 : memref<1x64x128xf32, #tpu.memory_space<hbm>> -> memref<64x128xf32, #tpu.memory_space<hbm>>
      %dma_wait3A_15 = arith.constant 0 : i32
      %dma_wait3A_16 = tpu.memref_slice %arg13[%mul3A_2, %dma_wait3A_15] : memref<1024x128xf32, #tpu.memory_space<vmem_shared>> -> memref<64x128xf32, #tpu.memory_space<vmem_shared>>
      tpu.wait_dma2 semaphore(%run_scoped3A : memref<!tpu.dma_semaphore, #tpu.memory_space<semaphore_mem>>) src(%dma_wait3A_16 : memref<64x128xf32, #tpu.memory_space<vmem_shared>>) dst(%dma_wait3A_14 : memref<64x128xf32, #tpu.memory_space<hbm>>)
      tpu.yield
    }) : () -> ()
    "tpu.region"() ({
      %run_scoped3A = tpu.sem_alloc : memref<!tpu.dma_semaphore, #tpu.memory_space<semaphore_mem>>
      %dma_start3A = arith.constant 0 : i32
      %dma_start3A_9 = tpu.memref_slice %arg8[%arg0, %mul3A_2, %dma_start3A] : memref<2x1024x128xf32, #tpu.memory_space<hbm>> -> memref<1x64x128xf32, #tpu.memory_space<hbm>>
      %dma_start3A_10 = tpu.memref_squeeze %dma_start3A_9 : memref<1x64x128xf32, #tpu.memory_space<hbm>> -> memref<64x128xf32, #tpu.memory_space<hbm>>
      %dma_start3A_11 = arith.constant 0 : i32
      %dma_start3A_12 = tpu.memref_slice %arg14[%mul3A_2, %dma_start3A_11] : memref<1024x128xf32, #tpu.memory_space<vmem_shared>> -> memref<64x128xf32, #tpu.memory_space<vmem_shared>>
      tpu.enqueue_dma source(%dma_start3A_12 : memref<64x128xf32, #tpu.memory_space<vmem_shared>>) target(%dma_start3A_10 : memref<64x128xf32, #tpu.memory_space<hbm>>) target_semaphore(%run_scoped3A : memref<!tpu.dma_semaphore, #tpu.memory_space<semaphore_mem>>)
      %dma_wait3A = arith.constant 0 : i32
      %dma_wait3A_13 = tpu.memref_slice %arg8[%arg0, %mul3A_2, %dma_wait3A] : memref<2x1024x128xf32, #tpu.memory_space<hbm>> -> memref<1x64x128xf32, #tpu.memory_space<hbm>>
      %dma_wait3A_14 = tpu.memref_squeeze %dma_wait3A_13 : memref<1x64x128xf32, #tpu.memory_space<hbm>> -> memref<64x128xf32, #tpu.memory_space<hbm>>
      %dma_wait3A_15 = arith.constant 0 : i32
      %dma_wait3A_16 = tpu.memref_slice %arg14[%mul3A_2, %dma_wait3A_15] : memref<1024x128xf32, #tpu.memory_space<vmem_shared>> -> memref<64x128xf32, #tpu.memory_space<vmem_shared>>
      tpu.wait_dma2 semaphore(%run_scoped3A : memref<!tpu.dma_semaphore, #tpu.memory_space<semaphore_mem>>) src(%dma_wait3A_16 : memref<64x128xf32, #tpu.memory_space<vmem_shared>>) dst(%dma_wait3A_14 : memref<64x128xf32, #tpu.memory_space<hbm>>)
      tpu.yield
    }) : () -> ()
    return
  }
}

#map = affine_map<(d0, d1) -> (0, 0)>
#map1 = affine_map<(d0, d1) -> (0, 0, 0)>
module attributes {stable_mosaic.version = 14 : i64} {
  func.func @_sc_agg0(%arg0: i32, %arg1: i32, %arg2: memref<266240x128xf32, #tpu.memory_space<hbm>>, %arg3: memref<32x64x125xi32, #tpu.memory_space<hbm>>, %arg4: memref<32x64x125xi32, #tpu.memory_space<hbm>>, %arg5: memref<10240x128xf32, #tpu.memory_space<hbm>>, %arg6: memref<2x10240x128xf32, #tpu.memory_space<hbm>>, %arg7: memref<64x125xi32, #tpu.memory_space<vmem>>, %arg8: memref<64x125xi32, #tpu.memory_space<vmem>>, %arg9: memref<2x125x128xf32, #tpu.memory_space<vmem>>, %arg10: memref<10240x128xf32, #tpu.memory_space<vmem_shared>>, %arg11: memref<!tpu.dma_semaphore, #tpu.memory_space<semaphore_mem>>) attributes {dimension_semantics = [#tpu.dimension_semantics<core_parallel>, #tpu.dimension_semantics<subcore_parallel>], iteration_bounds = array<i64: 2, 16>, scalar_prefetch = 0 : i64, scratch_operands = 5 : i64, tpu.core_type = #tpu.core_type<sc_vector_subcore>, window_params = [{transform_indices = #map}, {transform_indices = #map1}, {transform_indices = #map1}, {transform_indices = #map}, {transform_indices = #map1}]} {
    %mul3A = arith.constant 2 : i32
    %mul3A_0 = arith.muli %arg1, %mul3A : i32
    %add3A = arith.addi %mul3A_0, %arg0 : i32
    %mul3A_1 = arith.constant 640 : i32
    %mul3A_2 = arith.muli %arg1, %mul3A_1 : i32
    "tpu.region"() ({
      %run_scoped3A = tpu.sem_alloc : memref<!tpu.dma_semaphore, #tpu.memory_space<semaphore_mem>>
      %dma_start3A = arith.constant 0 : i32
      %dma_start3A_9 = tpu.memref_slice %arg10[%mul3A_2, %dma_start3A] : memref<10240x128xf32, #tpu.memory_space<vmem_shared>> -> memref<640x128xf32, #tpu.memory_space<vmem_shared>>
      %dma_start3A_10 = arith.constant 0 : i32
      %dma_start3A_11 = tpu.memref_slice %arg5[%mul3A_2, %dma_start3A_10] : memref<10240x128xf32, #tpu.memory_space<hbm>> -> memref<640x128xf32, #tpu.memory_space<hbm>>
      tpu.enqueue_dma source(%dma_start3A_11 : memref<640x128xf32, #tpu.memory_space<hbm>>) target(%dma_start3A_9 : memref<640x128xf32, #tpu.memory_space<vmem_shared>>) target_semaphore(%run_scoped3A : memref<!tpu.dma_semaphore, #tpu.memory_space<semaphore_mem>>)
      %dma_wait3A = arith.constant 0 : i32
      %dma_wait3A_12 = tpu.memref_slice %arg10[%mul3A_2, %dma_wait3A] : memref<10240x128xf32, #tpu.memory_space<vmem_shared>> -> memref<640x128xf32, #tpu.memory_space<vmem_shared>>
      %dma_wait3A_13 = arith.constant 0 : i32
      %dma_wait3A_14 = tpu.memref_slice %arg5[%mul3A_2, %dma_wait3A_13] : memref<10240x128xf32, #tpu.memory_space<hbm>> -> memref<640x128xf32, #tpu.memory_space<hbm>>
      tpu.wait_dma2 semaphore(%run_scoped3A : memref<!tpu.dma_semaphore, #tpu.memory_space<semaphore_mem>>) src(%dma_wait3A_14 : memref<640x128xf32, #tpu.memory_space<hbm>>) dst(%dma_wait3A_12 : memref<640x128xf32, #tpu.memory_space<vmem_shared>>)
      tpu.yield
    }) : () -> ()
    "tpu.region"() ({
      %run_scoped3A = tpu.sem_alloc : memref<!tpu.dma_semaphore, #tpu.memory_space<semaphore_mem>>
      %dma_start3A = arith.constant 0 : i32
      %dma_start3A_9 = arith.constant 0 : i32
      %dma_start3A_10 = tpu.memref_slice %arg3[%add3A, %dma_start3A, %dma_start3A_9] : memref<32x64x125xi32, #tpu.memory_space<hbm>> -> memref<1x64x125xi32, #tpu.memory_space<hbm>>
      %dma_start3A_11 = tpu.memref_squeeze %dma_start3A_10 : memref<1x64x125xi32, #tpu.memory_space<hbm>> -> memref<64x125xi32, #tpu.memory_space<hbm>>
      %dma_start3A_12 = arith.constant 0 : i32
      %dma_start3A_13 = arith.constant 0 : i32
      %dma_start3A_14 = tpu.memref_slice %arg3[%add3A, %dma_start3A_12, %dma_start3A_13] : memref<32x64x125xi32, #tpu.memory_space<hbm>> -> memref<1x64x125xi32, #tpu.memory_space<hbm>>
      %dma_start3A_15 = tpu.memref_squeeze %dma_start3A_14 : memref<1x64x125xi32, #tpu.memory_space<hbm>> -> memref<64x125xi32, #tpu.memory_space<hbm>>
      tpu.enqueue_dma source(%dma_start3A_15 : memref<64x125xi32, #tpu.memory_space<hbm>>) target(%arg7 : memref<64x125xi32, #tpu.memory_space<vmem>>) target_semaphore(%run_scoped3A : memref<!tpu.dma_semaphore, #tpu.memory_space<semaphore_mem>>)
      %dma_wait3A = arith.constant 0 : i32
      %dma_wait3A_16 = arith.constant 0 : i32
      %dma_wait3A_17 = tpu.memref_slice %arg3[%add3A, %dma_wait3A, %dma_wait3A_16] : memref<32x64x125xi32, #tpu.memory_space<hbm>> -> memref<1x64x125xi32, #tpu.memory_space<hbm>>
      %dma_wait3A_18 = tpu.memref_squeeze %dma_wait3A_17 : memref<1x64x125xi32, #tpu.memory_space<hbm>> -> memref<64x125xi32, #tpu.memory_space<hbm>>
      %dma_wait3A_19 = arith.constant 0 : i32
      %dma_wait3A_20 = arith.constant 0 : i32
      %dma_wait3A_21 = tpu.memref_slice %arg3[%add3A, %dma_wait3A_19, %dma_wait3A_20] : memref<32x64x125xi32, #tpu.memory_space<hbm>> -> memref<1x64x125xi32, #tpu.memory_space<hbm>>
      %dma_wait3A_22 = tpu.memref_squeeze %dma_wait3A_21 : memref<1x64x125xi32, #tpu.memory_space<hbm>> -> memref<64x125xi32, #tpu.memory_space<hbm>>
      tpu.wait_dma2 semaphore(%run_scoped3A : memref<!tpu.dma_semaphore, #tpu.memory_space<semaphore_mem>>) src(%dma_wait3A_22 : memref<64x125xi32, #tpu.memory_space<hbm>>) dst(%arg7 : memref<64x125xi32, #tpu.memory_space<vmem>>)
      tpu.yield
    }) : () -> ()
    "tpu.region"() ({
      %run_scoped3A = tpu.sem_alloc : memref<!tpu.dma_semaphore, #tpu.memory_space<semaphore_mem>>
      %dma_start3A = arith.constant 0 : i32
      %dma_start3A_9 = arith.constant 0 : i32
      %dma_start3A_10 = tpu.memref_slice %arg4[%add3A, %dma_start3A, %dma_start3A_9] : memref<32x64x125xi32, #tpu.memory_space<hbm>> -> memref<1x64x125xi32, #tpu.memory_space<hbm>>
      %dma_start3A_11 = tpu.memref_squeeze %dma_start3A_10 : memref<1x64x125xi32, #tpu.memory_space<hbm>> -> memref<64x125xi32, #tpu.memory_space<hbm>>
      %dma_start3A_12 = arith.constant 0 : i32
      %dma_start3A_13 = arith.constant 0 : i32
      %dma_start3A_14 = tpu.memref_slice %arg4[%add3A, %dma_start3A_12, %dma_start3A_13] : memref<32x64x125xi32, #tpu.memory_space<hbm>> -> memref<1x64x125xi32, #tpu.memory_space<hbm>>
      %dma_start3A_15 = tpu.memref_squeeze %dma_start3A_14 : memref<1x64x125xi32, #tpu.memory_space<hbm>> -> memref<64x125xi32, #tpu.memory_space<hbm>>
      tpu.enqueue_dma source(%dma_start3A_15 : memref<64x125xi32, #tpu.memory_space<hbm>>) target(%arg8 : memref<64x125xi32, #tpu.memory_space<vmem>>) target_semaphore(%run_scoped3A : memref<!tpu.dma_semaphore, #tpu.memory_space<semaphore_mem>>)
      %dma_wait3A = arith.constant 0 : i32
      %dma_wait3A_16 = arith.constant 0 : i32
      %dma_wait3A_17 = tpu.memref_slice %arg4[%add3A, %dma_wait3A, %dma_wait3A_16] : memref<32x64x125xi32, #tpu.memory_space<hbm>> -> memref<1x64x125xi32, #tpu.memory_space<hbm>>
      %dma_wait3A_18 = tpu.memref_squeeze %dma_wait3A_17 : memref<1x64x125xi32, #tpu.memory_space<hbm>> -> memref<64x125xi32, #tpu.memory_space<hbm>>
      %dma_wait3A_19 = arith.constant 0 : i32
      %dma_wait3A_20 = arith.constant 0 : i32
      %dma_wait3A_21 = tpu.memref_slice %arg4[%add3A, %dma_wait3A_19, %dma_wait3A_20] : memref<32x64x125xi32, #tpu.memory_space<hbm>> -> memref<1x64x125xi32, #tpu.memory_space<hbm>>
      %dma_wait3A_22 = tpu.memref_squeeze %dma_wait3A_21 : memref<1x64x125xi32, #tpu.memory_space<hbm>> -> memref<64x125xi32, #tpu.memory_space<hbm>>
      tpu.wait_dma2 semaphore(%run_scoped3A : memref<!tpu.dma_semaphore, #tpu.memory_space<semaphore_mem>>) src(%dma_wait3A_22 : memref<64x125xi32, #tpu.memory_space<hbm>>) dst(%arg8 : memref<64x125xi32, #tpu.memory_space<vmem>>)
      tpu.yield
    }) : () -> ()
    %barrier3A = arith.constant 0 : index
    tpu.barrier barrier_id(%barrier3A)
    %scan3A = arith.constant 0 : i32
    %scan3A_3 = arith.constant 0 : i32
    %scan3A_4 = arith.constant 65 : i32
    %scan3A_5 = arith.addi %scan3A_3, %scan3A_4 : i32
    %scan3A_6 = arith.constant 1 : i32
    scf.for %scan3A_9 = %scan3A_3 to %scan3A_5 step %scan3A_6  : i32 {
      %sub3A = arith.constant 1 : i32
      %sub3A_10 = arith.subi %scan3A_9, %sub3A : i32
      %jit3A = arith.constant 0 : i32
      %jit3A_11 = arith.constant 63 : i32
      %max3A = arith.maxsi %jit3A, %sub3A_10 : i32
      %min3A = arith.minsi %jit3A_11, %max3A : i32
      %rem3A = arith.constant 2 : i32
      %rem3A_12 = arith.remsi %scan3A_9, %rem3A : i32
      %add3A_13 = arith.constant 1 : i32
      %add3A_14 = arith.addi %scan3A_9, %add3A_13 : i32
      %rem3A_15 = arith.constant 2 : i32
      %rem3A_16 = arith.remsi %add3A_14, %rem3A_15 : i32
      %gt3A = arith.constant 0 : i32
      %gt3A_17 = arith.cmpi sgt, %scan3A_9, %gt3A : i32
      %convert_element_type3A = arith.extui %gt3A_17 : i1 to i32
      %cond3A = arith.constant 0 : i32
      %cond3A_18 = arith.cmpi ne, %convert_element_type3A, %cond3A : i32
      scf.if %cond3A_18 {
        %dma_wait3A = arith.constant 0 : i32
        %dma_wait3A_28 = arith.constant 0 : i32
        %dma_wait3A_29 = tpu.memref_slice %arg9[%rem3A_16, %dma_wait3A, %dma_wait3A_28] : memref<2x125x128xf32, #tpu.memory_space<vmem>> -> memref<1x125x128xf32, #tpu.memory_space<vmem>>
        %dma_wait3A_30 = tpu.memref_squeeze %dma_wait3A_29 : memref<1x125x128xf32, #tpu.memory_space<vmem>> -> memref<125x128xf32, #tpu.memory_space<vmem>>
        %dma_wait3A_31 = arith.constant 0 : i32
        %dma_wait3A_32 = tpu.memref_slice %arg7[%min3A, %dma_wait3A_31] : memref<64x125xi32, #tpu.memory_space<vmem>> -> memref<1x125xi32, #tpu.memory_space<vmem>>
        %dma_wait3A_33 = tpu.memref_squeeze %dma_wait3A_32 : memref<1x125xi32, #tpu.memory_space<vmem>> -> memref<125xi32, #tpu.memory_space<vmem>>
        %dma_wait3A_34 = arith.constant 0 : i32
        %dma_wait3A_35 = arith.constant 0 : i32
        %dma_wait3A_36 = tpu.memref_slice %arg2[%dma_wait3A_34, %dma_wait3A_35] : memref<266240x128xf32, #tpu.memory_space<hbm>> -> memref<266240x128xf32, #tpu.memory_space<hbm>>
        tpu.wait_indirect_dma semaphore(%arg11 : memref<!tpu.dma_semaphore, #tpu.memory_space<semaphore_mem>>) src(%dma_wait3A_36 : memref<266240x128xf32, #tpu.memory_space<hbm>>) dst(%dma_wait3A_30 : memref<125x128xf32, #tpu.memory_space<vmem>>)
      } else {
      }
      %lt3A = arith.constant 64 : i32
      %lt3A_19 = arith.cmpi slt, %scan3A_9, %lt3A : i32
      %convert_element_type3A_20 = arith.extui %lt3A_19 : i1 to i32
      %cond3A_21 = arith.constant 0 : i32
      %cond3A_22 = arith.cmpi ne, %convert_element_type3A_20, %cond3A_21 : i32
      scf.if %cond3A_22 {
        %dma_start3A = arith.constant 0 : i32
        %dma_start3A_28 = arith.constant 0 : i32
        %dma_start3A_29 = tpu.memref_slice %arg9[%rem3A_12, %dma_start3A, %dma_start3A_28] : memref<2x125x128xf32, #tpu.memory_space<vmem>> -> memref<1x125x128xf32, #tpu.memory_space<vmem>>
        %dma_start3A_30 = tpu.memref_squeeze %dma_start3A_29 : memref<1x125x128xf32, #tpu.memory_space<vmem>> -> memref<125x128xf32, #tpu.memory_space<vmem>>
        %dma_start3A_31 = arith.constant 0 : i32
        %dma_start3A_32 = tpu.memref_slice %arg7[%scan3A_9, %dma_start3A_31] : memref<64x125xi32, #tpu.memory_space<vmem>> -> memref<1x125xi32, #tpu.memory_space<vmem>>
        %dma_start3A_33 = tpu.memref_squeeze %dma_start3A_32 : memref<1x125xi32, #tpu.memory_space<vmem>> -> memref<125xi32, #tpu.memory_space<vmem>>
        %dma_start3A_34 = arith.constant 0 : i32
        %dma_start3A_35 = arith.constant 0 : i32
        %dma_start3A_36 = tpu.memref_slice %arg2[%dma_start3A_34, %dma_start3A_35] : memref<266240x128xf32, #tpu.memory_space<hbm>> -> memref<266240x128xf32, #tpu.memory_space<hbm>>
        tpu.enqueue_indirect_dma source(%dma_start3A_36 : memref<266240x128xf32, #tpu.memory_space<hbm>>) target(%dma_start3A_30 : memref<125x128xf32, #tpu.memory_space<vmem>>) offsets(%dma_start3A_33 : memref<125xi32, #tpu.memory_space<vmem>>) semaphore(%arg11 : memref<!tpu.dma_semaphore, #tpu.memory_space<semaphore_mem>>)
      } else {
      }
      %gt3A_23 = arith.constant 0 : i32
      %gt3A_24 = arith.cmpi sgt, %scan3A_9, %gt3A_23 : i32
      %convert_element_type3A_25 = arith.extui %gt3A_24 : i1 to i32
      %cond3A_26 = arith.constant 0 : i32
      %cond3A_27 = arith.cmpi ne, %convert_element_type3A_25, %cond3A_26 : i32
      scf.if %cond3A_27 {
        "tpu.region"() ({
          %run_scoped3A = tpu.sem_alloc : memref<!tpu.dma_semaphore, #tpu.memory_space<semaphore_mem>>
          %dma_start3A = arith.constant 0 : i32
          %dma_start3A_28 = arith.constant 0 : i32
          %dma_start3A_29 = tpu.memref_slice %arg9[%rem3A_16, %dma_start3A, %dma_start3A_28] : memref<2x125x128xf32, #tpu.memory_space<vmem>> -> memref<1x125x128xf32, #tpu.memory_space<vmem>>
          %dma_start3A_30 = tpu.memref_squeeze %dma_start3A_29 : memref<1x125x128xf32, #tpu.memory_space<vmem>> -> memref<125x128xf32, #tpu.memory_space<vmem>>
          %dma_start3A_31 = arith.constant 0 : i32
          %dma_start3A_32 = tpu.memref_slice %arg8[%min3A, %dma_start3A_31] : memref<64x125xi32, #tpu.memory_space<vmem>> -> memref<1x125xi32, #tpu.memory_space<vmem>>
          %dma_start3A_33 = tpu.memref_squeeze %dma_start3A_32 : memref<1x125xi32, #tpu.memory_space<vmem>> -> memref<125xi32, #tpu.memory_space<vmem>>
          %dma_start3A_34 = arith.constant 0 : i32
          %dma_start3A_35 = arith.constant 0 : i32
          %dma_start3A_36 = tpu.memref_slice %arg10[%dma_start3A_34, %dma_start3A_35] : memref<10240x128xf32, #tpu.memory_space<vmem_shared>> -> memref<10240x128xf32, #tpu.memory_space<vmem_shared>>
          tpu.enqueue_indirect_dma source(%dma_start3A_30 : memref<125x128xf32, #tpu.memory_space<vmem>>) target(%dma_start3A_36 : memref<10240x128xf32, #tpu.memory_space<vmem_shared>>) offsets(%dma_start3A_33 : memref<125xi32, #tpu.memory_space<vmem>>) semaphore(%run_scoped3A : memref<!tpu.dma_semaphore, #tpu.memory_space<semaphore_mem>>) {add = true}
          %dma_wait3A = arith.constant 0 : i32
          %dma_wait3A_37 = arith.constant 0 : i32
          %dma_wait3A_38 = tpu.memref_slice %arg9[%rem3A_16, %dma_wait3A, %dma_wait3A_37] : memref<2x125x128xf32, #tpu.memory_space<vmem>> -> memref<1x125x128xf32, #tpu.memory_space<vmem>>
          %dma_wait3A_39 = tpu.memref_squeeze %dma_wait3A_38 : memref<1x125x128xf32, #tpu.memory_space<vmem>> -> memref<125x128xf32, #tpu.memory_space<vmem>>
          %dma_wait3A_40 = arith.constant 0 : i32
          %dma_wait3A_41 = tpu.memref_slice %arg8[%min3A, %dma_wait3A_40] : memref<64x125xi32, #tpu.memory_space<vmem>> -> memref<1x125xi32, #tpu.memory_space<vmem>>
          %dma_wait3A_42 = tpu.memref_squeeze %dma_wait3A_41 : memref<1x125xi32, #tpu.memory_space<vmem>> -> memref<125xi32, #tpu.memory_space<vmem>>
          %dma_wait3A_43 = arith.constant 0 : i32
          %dma_wait3A_44 = arith.constant 0 : i32
          %dma_wait3A_45 = tpu.memref_slice %arg10[%dma_wait3A_43, %dma_wait3A_44] : memref<10240x128xf32, #tpu.memory_space<vmem_shared>> -> memref<10240x128xf32, #tpu.memory_space<vmem_shared>>
          tpu.wait_indirect_dma semaphore(%run_scoped3A : memref<!tpu.dma_semaphore, #tpu.memory_space<semaphore_mem>>) src(%dma_wait3A_39 : memref<125x128xf32, #tpu.memory_space<vmem>>) dst(%dma_wait3A_45 : memref<10240x128xf32, #tpu.memory_space<vmem_shared>>)
          tpu.yield
        }) : () -> ()
      } else {
      }
    }
    %scan3A_7 = arith.constant 65 : i32
    %barrier3A_8 = arith.constant 0 : index
    tpu.barrier barrier_id(%barrier3A_8)
    "tpu.region"() ({
      %run_scoped3A = tpu.sem_alloc : memref<!tpu.dma_semaphore, #tpu.memory_space<semaphore_mem>>
      %dma_start3A = arith.constant 0 : i32
      %dma_start3A_9 = tpu.memref_slice %arg6[%arg0, %mul3A_2, %dma_start3A] : memref<2x10240x128xf32, #tpu.memory_space<hbm>> -> memref<1x640x128xf32, #tpu.memory_space<hbm>>
      %dma_start3A_10 = tpu.memref_squeeze %dma_start3A_9 : memref<1x640x128xf32, #tpu.memory_space<hbm>> -> memref<640x128xf32, #tpu.memory_space<hbm>>
      %dma_start3A_11 = arith.constant 0 : i32
      %dma_start3A_12 = tpu.memref_slice %arg10[%mul3A_2, %dma_start3A_11] : memref<10240x128xf32, #tpu.memory_space<vmem_shared>> -> memref<640x128xf32, #tpu.memory_space<vmem_shared>>
      tpu.enqueue_dma source(%dma_start3A_12 : memref<640x128xf32, #tpu.memory_space<vmem_shared>>) target(%dma_start3A_10 : memref<640x128xf32, #tpu.memory_space<hbm>>) target_semaphore(%run_scoped3A : memref<!tpu.dma_semaphore, #tpu.memory_space<semaphore_mem>>)
      %dma_wait3A = arith.constant 0 : i32
      %dma_wait3A_13 = tpu.memref_slice %arg6[%arg0, %mul3A_2, %dma_wait3A] : memref<2x10240x128xf32, #tpu.memory_space<hbm>> -> memref<1x640x128xf32, #tpu.memory_space<hbm>>
      %dma_wait3A_14 = tpu.memref_squeeze %dma_wait3A_13 : memref<1x640x128xf32, #tpu.memory_space<hbm>> -> memref<640x128xf32, #tpu.memory_space<hbm>>
      %dma_wait3A_15 = arith.constant 0 : i32
      %dma_wait3A_16 = tpu.memref_slice %arg10[%mul3A_2, %dma_wait3A_15] : memref<10240x128xf32, #tpu.memory_space<vmem_shared>> -> memref<640x128xf32, #tpu.memory_space<vmem_shared>>
      tpu.wait_dma2 semaphore(%run_scoped3A : memref<!tpu.dma_semaphore, #tpu.memory_space<semaphore_mem>>) src(%dma_wait3A_16 : memref<640x128xf32, #tpu.memory_space<vmem_shared>>) dst(%dma_wait3A_14 : memref<640x128xf32, #tpu.memory_space<hbm>>)
      tpu.yield
    }) : () -> ()
    return
  }
}

#map = affine_map<(d0, d1) -> (0, 0, 0)>
#map1 = affine_map<(d0, d1) -> (0, 0)>
module attributes {stable_mosaic.version = 14 : i64} {
  func.func @_sc_deg0(%arg0: i32, %arg1: i32, %arg2: memref<32x64x125xi32, #tpu.memory_space<hbm>>, %arg3: memref<10240x128xf32, #tpu.memory_space<hbm>>, %arg4: memref<125x128xf32, #tpu.memory_space<hbm>>, %arg5: memref<2x10240x128xf32, #tpu.memory_space<hbm>>, %arg6: memref<64x125xi32, #tpu.memory_space<vmem>>, %arg7: memref<125x128xf32, #tpu.memory_space<vmem>>, %arg8: memref<10240x128xf32, #tpu.memory_space<vmem_shared>>, %arg9: memref<!tpu.dma_semaphore, #tpu.memory_space<semaphore_mem>>) attributes {dimension_semantics = [#tpu.dimension_semantics<core_parallel>, #tpu.dimension_semantics<subcore_parallel>], iteration_bounds = array<i64: 2, 16>, scalar_prefetch = 0 : i64, scratch_operands = 4 : i64, tpu.core_type = #tpu.core_type<sc_vector_subcore>, window_params = [{transform_indices = #map}, {transform_indices = #map1}, {transform_indices = #map1}, {transform_indices = #map}]} {
    %mul3A = arith.constant 2 : i32
    %mul3A_0 = arith.muli %arg1, %mul3A : i32
    %add3A = arith.addi %mul3A_0, %arg0 : i32
    %mul3A_1 = arith.constant 640 : i32
    %mul3A_2 = arith.muli %arg1, %mul3A_1 : i32
    "tpu.region"() ({
      %run_scoped3A = tpu.sem_alloc : memref<!tpu.dma_semaphore, #tpu.memory_space<semaphore_mem>>
      %dma_start3A = arith.constant 0 : i32
      %dma_start3A_15 = tpu.memref_slice %arg8[%mul3A_2, %dma_start3A] : memref<10240x128xf32, #tpu.memory_space<vmem_shared>> -> memref<640x128xf32, #tpu.memory_space<vmem_shared>>
      %dma_start3A_16 = arith.constant 0 : i32
      %dma_start3A_17 = tpu.memref_slice %arg3[%mul3A_2, %dma_start3A_16] : memref<10240x128xf32, #tpu.memory_space<hbm>> -> memref<640x128xf32, #tpu.memory_space<hbm>>
      tpu.enqueue_dma source(%dma_start3A_17 : memref<640x128xf32, #tpu.memory_space<hbm>>) target(%dma_start3A_15 : memref<640x128xf32, #tpu.memory_space<vmem_shared>>) target_semaphore(%run_scoped3A : memref<!tpu.dma_semaphore, #tpu.memory_space<semaphore_mem>>)
      %dma_wait3A = arith.constant 0 : i32
      %dma_wait3A_18 = tpu.memref_slice %arg8[%mul3A_2, %dma_wait3A] : memref<10240x128xf32, #tpu.memory_space<vmem_shared>> -> memref<640x128xf32, #tpu.memory_space<vmem_shared>>
      %dma_wait3A_19 = arith.constant 0 : i32
      %dma_wait3A_20 = tpu.memref_slice %arg3[%mul3A_2, %dma_wait3A_19] : memref<10240x128xf32, #tpu.memory_space<hbm>> -> memref<640x128xf32, #tpu.memory_space<hbm>>
      tpu.wait_dma2 semaphore(%run_scoped3A : memref<!tpu.dma_semaphore, #tpu.memory_space<semaphore_mem>>) src(%dma_wait3A_20 : memref<640x128xf32, #tpu.memory_space<hbm>>) dst(%dma_wait3A_18 : memref<640x128xf32, #tpu.memory_space<vmem_shared>>)
      tpu.yield
    }) : () -> ()
    "tpu.region"() ({
      %run_scoped3A = tpu.sem_alloc : memref<!tpu.dma_semaphore, #tpu.memory_space<semaphore_mem>>
      %dma_start3A = arith.constant 0 : i32
      %dma_start3A_15 = arith.constant 0 : i32
      %dma_start3A_16 = tpu.memref_slice %arg2[%add3A, %dma_start3A, %dma_start3A_15] : memref<32x64x125xi32, #tpu.memory_space<hbm>> -> memref<1x64x125xi32, #tpu.memory_space<hbm>>
      %dma_start3A_17 = tpu.memref_squeeze %dma_start3A_16 : memref<1x64x125xi32, #tpu.memory_space<hbm>> -> memref<64x125xi32, #tpu.memory_space<hbm>>
      %dma_start3A_18 = arith.constant 0 : i32
      %dma_start3A_19 = arith.constant 0 : i32
      %dma_start3A_20 = tpu.memref_slice %arg2[%add3A, %dma_start3A_18, %dma_start3A_19] : memref<32x64x125xi32, #tpu.memory_space<hbm>> -> memref<1x64x125xi32, #tpu.memory_space<hbm>>
      %dma_start3A_21 = tpu.memref_squeeze %dma_start3A_20 : memref<1x64x125xi32, #tpu.memory_space<hbm>> -> memref<64x125xi32, #tpu.memory_space<hbm>>
      tpu.enqueue_dma source(%dma_start3A_21 : memref<64x125xi32, #tpu.memory_space<hbm>>) target(%arg6 : memref<64x125xi32, #tpu.memory_space<vmem>>) target_semaphore(%run_scoped3A : memref<!tpu.dma_semaphore, #tpu.memory_space<semaphore_mem>>)
      %dma_wait3A = arith.constant 0 : i32
      %dma_wait3A_22 = arith.constant 0 : i32
      %dma_wait3A_23 = tpu.memref_slice %arg2[%add3A, %dma_wait3A, %dma_wait3A_22] : memref<32x64x125xi32, #tpu.memory_space<hbm>> -> memref<1x64x125xi32, #tpu.memory_space<hbm>>
      %dma_wait3A_24 = tpu.memref_squeeze %dma_wait3A_23 : memref<1x64x125xi32, #tpu.memory_space<hbm>> -> memref<64x125xi32, #tpu.memory_space<hbm>>
      %dma_wait3A_25 = arith.constant 0 : i32
      %dma_wait3A_26 = arith.constant 0 : i32
      %dma_wait3A_27 = tpu.memref_slice %arg2[%add3A, %dma_wait3A_25, %dma_wait3A_26] : memref<32x64x125xi32, #tpu.memory_space<hbm>> -> memref<1x64x125xi32, #tpu.memory_space<hbm>>
      %dma_wait3A_28 = tpu.memref_squeeze %dma_wait3A_27 : memref<1x64x125xi32, #tpu.memory_space<hbm>> -> memref<64x125xi32, #tpu.memory_space<hbm>>
      tpu.wait_dma2 semaphore(%run_scoped3A : memref<!tpu.dma_semaphore, #tpu.memory_space<semaphore_mem>>) src(%dma_wait3A_28 : memref<64x125xi32, #tpu.memory_space<hbm>>) dst(%arg6 : memref<64x125xi32, #tpu.memory_space<vmem>>)
      tpu.yield
    }) : () -> ()
    "tpu.region"() ({
      %run_scoped3A = tpu.sem_alloc : memref<!tpu.dma_semaphore, #tpu.memory_space<semaphore_mem>>
      tpu.enqueue_dma source(%arg4 : memref<125x128xf32, #tpu.memory_space<hbm>>) target(%arg7 : memref<125x128xf32, #tpu.memory_space<vmem>>) target_semaphore(%run_scoped3A : memref<!tpu.dma_semaphore, #tpu.memory_space<semaphore_mem>>)
      tpu.wait_dma2 semaphore(%run_scoped3A : memref<!tpu.dma_semaphore, #tpu.memory_space<semaphore_mem>>) src(%arg4 : memref<125x128xf32, #tpu.memory_space<hbm>>) dst(%arg7 : memref<125x128xf32, #tpu.memory_space<vmem>>)
      tpu.yield
    }) : () -> ()
    %barrier3A = arith.constant 0 : index
    tpu.barrier barrier_id(%barrier3A)
    %scan3A = arith.constant 0 : i32
    %scan3A_3 = arith.constant 0 : i32
    %scan3A_4 = arith.constant 64 : i32
    %scan3A_5 = arith.addi %scan3A_3, %scan3A_4 : i32
    %scan3A_6 = arith.constant 1 : i32
    scf.for %scan3A_15 = %scan3A_3 to %scan3A_5 step %scan3A_6  : i32 {
      %dma_start3A = arith.constant 0 : i32
      %dma_start3A_16 = tpu.memref_slice %arg6[%scan3A_15, %dma_start3A] : memref<64x125xi32, #tpu.memory_space<vmem>> -> memref<1x125xi32, #tpu.memory_space<vmem>>
      %dma_start3A_17 = tpu.memref_squeeze %dma_start3A_16 : memref<1x125xi32, #tpu.memory_space<vmem>> -> memref<125xi32, #tpu.memory_space<vmem>>
      %dma_start3A_18 = arith.constant 0 : i32
      %dma_start3A_19 = arith.constant 0 : i32
      %dma_start3A_20 = tpu.memref_slice %arg8[%dma_start3A_18, %dma_start3A_19] : memref<10240x128xf32, #tpu.memory_space<vmem_shared>> -> memref<10240x128xf32, #tpu.memory_space<vmem_shared>>
      tpu.enqueue_indirect_dma source(%arg7 : memref<125x128xf32, #tpu.memory_space<vmem>>) target(%dma_start3A_20 : memref<10240x128xf32, #tpu.memory_space<vmem_shared>>) offsets(%dma_start3A_17 : memref<125xi32, #tpu.memory_space<vmem>>) semaphore(%arg9 : memref<!tpu.dma_semaphore, #tpu.memory_space<semaphore_mem>>) {add = true}
    }
    %scan3A_7 = arith.constant 64 : i32
    %scan3A_8 = arith.constant 0 : i32
    %scan3A_9 = arith.constant 0 : i32
    %scan3A_10 = arith.constant 64 : i32
    %scan3A_11 = arith.addi %scan3A_9, %scan3A_10 : i32
    %scan3A_12 = arith.constant 1 : i32
    scf.for %scan3A_15 = %scan3A_9 to %scan3A_11 step %scan3A_12  : i32 {
      %dma_wait3A = arith.constant 0 : i32
      %dma_wait3A_16 = arith.constant 0 : i32
      %dma_wait3A_17 = tpu.memref_slice %arg6[%dma_wait3A, %dma_wait3A_16] : memref<64x125xi32, #tpu.memory_space<vmem>> -> memref<1x125xi32, #tpu.memory_space<vmem>>
      %dma_wait3A_18 = tpu.memref_squeeze %dma_wait3A_17 : memref<1x125xi32, #tpu.memory_space<vmem>> -> memref<125xi32, #tpu.memory_space<vmem>>
      %dma_wait3A_19 = arith.constant 0 : i32
      %dma_wait3A_20 = arith.constant 0 : i32
      %dma_wait3A_21 = tpu.memref_slice %arg8[%dma_wait3A_19, %dma_wait3A_20] : memref<10240x128xf32, #tpu.memory_space<vmem_shared>> -> memref<10240x128xf32, #tpu.memory_space<vmem_shared>>
      tpu.wait_indirect_dma semaphore(%arg9 : memref<!tpu.dma_semaphore, #tpu.memory_space<semaphore_mem>>) src(%arg7 : memref<125x128xf32, #tpu.memory_space<vmem>>) dst(%dma_wait3A_21 : memref<10240x128xf32, #tpu.memory_space<vmem_shared>>)
    }
    %scan3A_13 = arith.constant 64 : i32
    %barrier3A_14 = arith.constant 0 : index
    tpu.barrier barrier_id(%barrier3A_14)
    "tpu.region"() ({
      %run_scoped3A = tpu.sem_alloc : memref<!tpu.dma_semaphore, #tpu.memory_space<semaphore_mem>>
      %dma_start3A = arith.constant 0 : i32
      %dma_start3A_15 = tpu.memref_slice %arg5[%arg0, %mul3A_2, %dma_start3A] : memref<2x10240x128xf32, #tpu.memory_space<hbm>> -> memref<1x640x128xf32, #tpu.memory_space<hbm>>
      %dma_start3A_16 = tpu.memref_squeeze %dma_start3A_15 : memref<1x640x128xf32, #tpu.memory_space<hbm>> -> memref<640x128xf32, #tpu.memory_space<hbm>>
      %dma_start3A_17 = arith.constant 0 : i32
      %dma_start3A_18 = tpu.memref_slice %arg8[%mul3A_2, %dma_start3A_17] : memref<10240x128xf32, #tpu.memory_space<vmem_shared>> -> memref<640x128xf32, #tpu.memory_space<vmem_shared>>
      tpu.enqueue_dma source(%dma_start3A_18 : memref<640x128xf32, #tpu.memory_space<vmem_shared>>) target(%dma_start3A_16 : memref<640x128xf32, #tpu.memory_space<hbm>>) target_semaphore(%run_scoped3A : memref<!tpu.dma_semaphore, #tpu.memory_space<semaphore_mem>>)
      %dma_wait3A = arith.constant 0 : i32
      %dma_wait3A_19 = tpu.memref_slice %arg5[%arg0, %mul3A_2, %dma_wait3A] : memref<2x10240x128xf32, #tpu.memory_space<hbm>> -> memref<1x640x128xf32, #tpu.memory_space<hbm>>
      %dma_wait3A_20 = tpu.memref_squeeze %dma_wait3A_19 : memref<1x640x128xf32, #tpu.memory_space<hbm>> -> memref<640x128xf32, #tpu.memory_space<hbm>>
      %dma_wait3A_21 = arith.constant 0 : i32
      %dma_wait3A_22 = tpu.memref_slice %arg8[%mul3A_2, %dma_wait3A_21] : memref<10240x128xf32, #tpu.memory_space<vmem_shared>> -> memref<640x128xf32, #tpu.memory_space<vmem_shared>>
      tpu.wait_dma2 semaphore(%run_scoped3A : memref<!tpu.dma_semaphore, #tpu.memory_space<semaphore_mem>>) src(%dma_wait3A_22 : memref<640x128xf32, #tpu.memory_space<vmem_shared>>) dst(%dma_wait3A_20 : memref<640x128xf32, #tpu.memory_space<hbm>>)
      tpu.yield
    }) : () -> ()
    return
  }
}

module attributes {stable_mosaic.version = 14 : i64} {
  func.func @_tc2_body(%arg0: i32, %arg1: memref<1024x128xf32, #tpu.memory_space<vmem>>, %arg2: memref<2x1024x128xf32, #tpu.memory_space<vmem>>, %arg3: memref<2x1024x128xf32, #tpu.memory_space<vmem>>, %arg4: memref<128x32xf32, #tpu.memory_space<vmem>>, %arg5: memref<128x32xf32, #tpu.memory_space<vmem>>, %arg6: memref<1x32xf32, #tpu.memory_space<vmem>>, %arg7: memref<1024x32xf32, #tpu.memory_space<vmem>>) attributes {dimension_semantics = [#tpu.dimension_semantics<arbitrary>], iteration_bounds = array<i64: 1>, scalar_prefetch = 0 : i64, scratch_operands = 0 : i64, tpu.core_type = #tpu.core_type<tc>, window_params = [{transform_indices = @transform_0, window_bounds = array<i64: 1024, 128>}, {pipeline_mode = #tpu.pipeline_mode<synchronous>, transform_indices = @transform_1, window_bounds = array<i64: 2, 1024, 128>}, {pipeline_mode = #tpu.pipeline_mode<synchronous>, transform_indices = @transform_2, window_bounds = array<i64: 2, 1024, 128>}, {pipeline_mode = #tpu.pipeline_mode<synchronous>, transform_indices = @transform_3, window_bounds = array<i64: 128, 32>}, {pipeline_mode = #tpu.pipeline_mode<synchronous>, transform_indices = @transform_4, window_bounds = array<i64: 128, 32>}, {pipeline_mode = #tpu.pipeline_mode<synchronous>, transform_indices = @transform_5, window_bounds = array<i64: 1, 32>}, {transform_indices = @transform_6, window_bounds = array<i64: 1024, 32>}]} {
    %get3A = arith.constant 0 : index
    %get3A_0 = arith.constant 0 : index
    %get3A_1 = arith.constant 0 : index
    %get3A_2 = vector.load %arg2[%get3A, %get3A_0, %get3A_1] : memref<2x1024x128xf32, #tpu.memory_space<vmem>>, vector<2x1024x128xf32>
    %get3A_3 = arith.constant 0 : index
    %get3A_4 = arith.constant 0 : index
    %get3A_5 = arith.constant 0 : index
    %get3A_6 = vector.load %arg3[%get3A_3, %get3A_4, %get3A_5] : memref<2x1024x128xf32, #tpu.memory_space<vmem>>, vector<2x1024x128xf32>
    %slice3A = vector.extract_strided_slice %get3A_6 {offsets = [0, 0, 0], sizes = [1, 1024, 128], strides = [1, 1, 1]} : vector<2x1024x128xf32> to vector<1x1024x128xf32>
    %squeeze3A = vector.shape_cast %slice3A : vector<1x1024x128xf32> to vector<1024x128xf32>
    %slice3A_7 = vector.extract_strided_slice %get3A_6 {offsets = [1, 0, 0], sizes = [1, 1024, 128], strides = [1, 1, 1]} : vector<2x1024x128xf32> to vector<1x1024x128xf32>
    %squeeze3A_8 = vector.shape_cast %slice3A_7 : vector<1x1024x128xf32> to vector<1024x128xf32>
    %add3A = arith.addf %squeeze3A, %squeeze3A_8 : vector<1024x128xf32>
    %slice3A_9 = vector.extract_strided_slice %add3A {offsets = [0, 0], sizes = [1024, 1], strides = [1, 1]} : vector<1024x128xf32> to vector<1024x1xf32>
    %max3A = arith.constant 1.000000e+00 : f32
    %max3A_10 = vector.broadcast %max3A : f32 to vector<1024x1xf32>
    %max3A_11 = arith.maximumf %slice3A_9, %max3A_10 : vector<1024x1xf32>
    %div3A = arith.constant 1.000000e+00 : f32
    %div3A_12 = vector.broadcast %div3A : f32 to vector<1024x1xf32>
    %div3A_13 = arith.divf %div3A_12, %max3A_11 : vector<1024x1xf32>
    %slice3A_14 = vector.extract_strided_slice %get3A_2 {offsets = [0, 0, 0], sizes = [1, 1024, 128], strides = [1, 1, 1]} : vector<2x1024x128xf32> to vector<1x1024x128xf32>
    %squeeze3A_15 = vector.shape_cast %slice3A_14 : vector<1x1024x128xf32> to vector<1024x128xf32>
    %slice3A_16 = vector.extract_strided_slice %get3A_2 {offsets = [1, 0, 0], sizes = [1, 1024, 128], strides = [1, 1, 1]} : vector<2x1024x128xf32> to vector<1x1024x128xf32>
    %squeeze3A_17 = vector.shape_cast %slice3A_16 : vector<1x1024x128xf32> to vector<1024x128xf32>
    %add3A_18 = arith.addf %squeeze3A_15, %squeeze3A_17 : vector<1024x128xf32>
    %mul3A = vector.broadcast %div3A_13 : vector<1024x1xf32> to vector<1024x128xf32>
    %mul3A_19 = arith.mulf %add3A_18, %mul3A : vector<1024x128xf32>
    %get3A_20 = arith.constant 0 : index
    %get3A_21 = arith.constant 0 : index
    %get3A_22 = vector.load %arg1[%get3A_20, %get3A_21] : memref<1024x128xf32, #tpu.memory_space<vmem>>, vector<1024x128xf32>
    %get3A_23 = arith.constant 0 : index
    %get3A_24 = arith.constant 0 : index
    %get3A_25 = vector.load %arg4[%get3A_23, %get3A_24] : memref<128x32xf32, #tpu.memory_space<vmem>>, vector<128x32xf32>
    %dot_general3A = arith.constant dense<0.000000e+00> : vector<1024x32xf32>
    %dot_general3A_26 = tpu.matmul %get3A_22, %get3A_25, %dot_general3A {dimension_numbers = #tpu.dot_dimension_numbers<[1], [0], [0], [1], [0, 0, 1, 1], [], []>, transpose_lhs_hint = false} : vector<1024x128xf32>, vector<128x32xf32>, vector<1024x32xf32> -> vector<1024x32xf32>
    %get3A_27 = arith.constant 0 : index
    %get3A_28 = arith.constant 0 : index
    %get3A_29 = vector.load %arg5[%get3A_27, %get3A_28] : memref<128x32xf32, #tpu.memory_space<vmem>>, vector<128x32xf32>
    %dot_general3A_30 = arith.constant dense<0.000000e+00> : vector<1024x32xf32>
    %dot_general3A_31 = tpu.matmul %mul3A_19, %get3A_29, %dot_general3A_30 {dimension_numbers = #tpu.dot_dimension_numbers<[1], [0], [0], [1], [0, 0, 1, 1], [], []>, transpose_lhs_hint = false} : vector<1024x128xf32>, vector<128x32xf32>, vector<1024x32xf32> -> vector<1024x32xf32>
    %add3A_32 = arith.addf %dot_general3A_26, %dot_general3A_31 : vector<1024x32xf32>
    %get3A_33 = arith.constant 0 : index
    %get3A_34 = arith.constant 0 : index
    %get3A_35 = vector.load %arg6[%get3A_33, %get3A_34] : memref<1x32xf32, #tpu.memory_space<vmem>>, vector<1x32xf32>
    %add3A_36 = vector.broadcast %get3A_35 : vector<1x32xf32> to vector<1024x32xf32>
    %add3A_37 = arith.addf %add3A_32, %add3A_36 : vector<1024x32xf32>
    %swap3A = arith.constant 0 : index
    %swap3A_38 = arith.constant 0 : index
    %swap3A_39 = vector.load %arg7[%swap3A, %swap3A_38] : memref<1024x32xf32, #tpu.memory_space<vmem>>, vector<1024x32xf32>
    tpu.vector_store %arg7[%swap3A, %swap3A_38], %add3A_37 {strides = array<i32>} : memref<1024x32xf32, #tpu.memory_space<vmem>>, vector<1024x32xf32>,
    return
  }
  func.func @transform_0(%arg0: i32) -> (i32, i32) {
    %c0_i32 = arith.constant 0 : i32
    %c0_i32_0 = arith.constant 0 : i32
    %c0_i32_1 = arith.constant 0 : i32
    return %c0_i32, %c0_i32_0 : i32, i32
  }
  func.func @transform_1(%arg0: i32) -> (i32, i32, i32) {
    %c0_i32 = arith.constant 0 : i32
    %c0_i32_0 = arith.constant 0 : i32
    %c0_i32_1 = arith.constant 0 : i32
    %c0_i32_2 = arith.constant 0 : i32
    return %c0_i32, %c0_i32_0, %c0_i32_1 : i32, i32, i32
  }
  func.func @transform_2(%arg0: i32) -> (i32, i32, i32) {
    %c0_i32 = arith.constant 0 : i32
    %c0_i32_0 = arith.constant 0 : i32
    %c0_i32_1 = arith.constant 0 : i32
    %c0_i32_2 = arith.constant 0 : i32
    return %c0_i32, %c0_i32_0, %c0_i32_1 : i32, i32, i32
  }
  func.func @transform_3(%arg0: i32) -> (i32, i32) {
    %c0_i32 = arith.constant 0 : i32
    %c0_i32_0 = arith.constant 0 : i32
    %c0_i32_1 = arith.constant 0 : i32
    return %c0_i32, %c0_i32_0 : i32, i32
  }
  func.func @transform_4(%arg0: i32) -> (i32, i32) {
    %c0_i32 = arith.constant 0 : i32
    %c0_i32_0 = arith.constant 0 : i32
    %c0_i32_1 = arith.constant 0 : i32
    return %c0_i32, %c0_i32_0 : i32, i32
  }
  func.func @transform_5(%arg0: i32) -> (i32, i32) {
    %c0_i32 = arith.constant 0 : i32
    %c0_i32_0 = arith.constant 0 : i32
    %c0_i32_1 = arith.constant 0 : i32
    return %c0_i32, %c0_i32_0 : i32, i32
  }
  func.func @transform_6(%arg0: i32) -> (i32, i32) {
    %c0_i32 = arith.constant 0 : i32
    %c0_i32_0 = arith.constant 0 : i32
    return %arg0, %c0_i32 : i32, i32
  }
}

module attributes {stable_mosaic.version = 14 : i64} {
  func.func @_tc1_body(%arg0: i32, %arg1: memref<1024x128xf32, #tpu.memory_space<vmem>>, %arg2: memref<2x1024x128xf32, #tpu.memory_space<vmem>>, %arg3: memref<2x1024x128xf32, #tpu.memory_space<vmem>>, %arg4: memref<128x128xf32, #tpu.memory_space<vmem>>, %arg5: memref<128x128xf32, #tpu.memory_space<vmem>>, %arg6: memref<1x128xf32, #tpu.memory_space<vmem>>, %arg7: memref<1024x128xf32, #tpu.memory_space<vmem>>) attributes {dimension_semantics = [#tpu.dimension_semantics<arbitrary>], iteration_bounds = array<i64: 10>, scalar_prefetch = 0 : i64, scratch_operands = 0 : i64, tpu.core_type = #tpu.core_type<tc>, window_params = [{transform_indices = @transform_0, window_bounds = array<i64: 1024, 128>}, {transform_indices = @transform_1, window_bounds = array<i64: 2, 1024, 128>}, {transform_indices = @transform_2, window_bounds = array<i64: 2, 1024, 128>}, {pipeline_mode = #tpu.pipeline_mode<synchronous>, transform_indices = @transform_3, window_bounds = array<i64: 128, 128>}, {pipeline_mode = #tpu.pipeline_mode<synchronous>, transform_indices = @transform_4, window_bounds = array<i64: 128, 128>}, {pipeline_mode = #tpu.pipeline_mode<synchronous>, transform_indices = @transform_5, window_bounds = array<i64: 1, 128>}, {transform_indices = @transform_6, window_bounds = array<i64: 1024, 128>}]} {
    %get3A = arith.constant 0 : index
    %get3A_0 = arith.constant 0 : index
    %get3A_1 = arith.constant 0 : index
    %get3A_2 = vector.load %arg2[%get3A, %get3A_0, %get3A_1] : memref<2x1024x128xf32, #tpu.memory_space<vmem>>, vector<2x1024x128xf32>
    %get3A_3 = arith.constant 0 : index
    %get3A_4 = arith.constant 0 : index
    %get3A_5 = arith.constant 0 : index
    %get3A_6 = vector.load %arg3[%get3A_3, %get3A_4, %get3A_5] : memref<2x1024x128xf32, #tpu.memory_space<vmem>>, vector<2x1024x128xf32>
    %slice3A = vector.extract_strided_slice %get3A_6 {offsets = [0, 0, 0], sizes = [1, 1024, 128], strides = [1, 1, 1]} : vector<2x1024x128xf32> to vector<1x1024x128xf32>
    %squeeze3A = vector.shape_cast %slice3A : vector<1x1024x128xf32> to vector<1024x128xf32>
    %slice3A_7 = vector.extract_strided_slice %get3A_6 {offsets = [1, 0, 0], sizes = [1, 1024, 128], strides = [1, 1, 1]} : vector<2x1024x128xf32> to vector<1x1024x128xf32>
    %squeeze3A_8 = vector.shape_cast %slice3A_7 : vector<1x1024x128xf32> to vector<1024x128xf32>
    %add3A = arith.addf %squeeze3A, %squeeze3A_8 : vector<1024x128xf32>
    %slice3A_9 = vector.extract_strided_slice %add3A {offsets = [0, 0], sizes = [1024, 1], strides = [1, 1]} : vector<1024x128xf32> to vector<1024x1xf32>
    %max3A = arith.constant 1.000000e+00 : f32
    %max3A_10 = vector.broadcast %max3A : f32 to vector<1024x1xf32>
    %max3A_11 = arith.maximumf %slice3A_9, %max3A_10 : vector<1024x1xf32>
    %div3A = arith.constant 1.000000e+00 : f32
    %div3A_12 = vector.broadcast %div3A : f32 to vector<1024x1xf32>
    %div3A_13 = arith.divf %div3A_12, %max3A_11 : vector<1024x1xf32>
    %slice3A_14 = vector.extract_strided_slice %get3A_2 {offsets = [0, 0, 0], sizes = [1, 1024, 128], strides = [1, 1, 1]} : vector<2x1024x128xf32> to vector<1x1024x128xf32>
    %squeeze3A_15 = vector.shape_cast %slice3A_14 : vector<1x1024x128xf32> to vector<1024x128xf32>
    %slice3A_16 = vector.extract_strided_slice %get3A_2 {offsets = [1, 0, 0], sizes = [1, 1024, 128], strides = [1, 1, 1]} : vector<2x1024x128xf32> to vector<1x1024x128xf32>
    %squeeze3A_17 = vector.shape_cast %slice3A_16 : vector<1x1024x128xf32> to vector<1024x128xf32>
    %add3A_18 = arith.addf %squeeze3A_15, %squeeze3A_17 : vector<1024x128xf32>
    %mul3A = vector.broadcast %div3A_13 : vector<1024x1xf32> to vector<1024x128xf32>
    %mul3A_19 = arith.mulf %add3A_18, %mul3A : vector<1024x128xf32>
    %get3A_20 = arith.constant 0 : index
    %get3A_21 = arith.constant 0 : index
    %get3A_22 = vector.load %arg1[%get3A_20, %get3A_21] : memref<1024x128xf32, #tpu.memory_space<vmem>>, vector<1024x128xf32>
    %get3A_23 = arith.constant 0 : index
    %get3A_24 = arith.constant 0 : index
    %get3A_25 = vector.load %arg4[%get3A_23, %get3A_24] : memref<128x128xf32, #tpu.memory_space<vmem>>, vector<128x128xf32>
    %dot_general3A = arith.constant dense<0.000000e+00> : vector<1024x128xf32>
    %dot_general3A_26 = tpu.matmul %get3A_22, %get3A_25, %dot_general3A {dimension_numbers = #tpu.dot_dimension_numbers<[1], [0], [0], [1], [0, 0, 1, 1], [], []>, transpose_lhs_hint = false} : vector<1024x128xf32>, vector<128x128xf32>, vector<1024x128xf32> -> vector<1024x128xf32>
    %get3A_27 = arith.constant 0 : index
    %get3A_28 = arith.constant 0 : index
    %get3A_29 = vector.load %arg5[%get3A_27, %get3A_28] : memref<128x128xf32, #tpu.memory_space<vmem>>, vector<128x128xf32>
    %dot_general3A_30 = arith.constant dense<0.000000e+00> : vector<1024x128xf32>
    %dot_general3A_31 = tpu.matmul %mul3A_19, %get3A_29, %dot_general3A_30 {dimension_numbers = #tpu.dot_dimension_numbers<[1], [0], [0], [1], [0, 0, 1, 1], [], []>, transpose_lhs_hint = false} : vector<1024x128xf32>, vector<128x128xf32>, vector<1024x128xf32> -> vector<1024x128xf32>
    %add3A_32 = arith.addf %dot_general3A_26, %dot_general3A_31 : vector<1024x128xf32>
    %get3A_33 = arith.constant 0 : index
    %get3A_34 = arith.constant 0 : index
    %get3A_35 = vector.load %arg6[%get3A_33, %get3A_34] : memref<1x128xf32, #tpu.memory_space<vmem>>, vector<1x128xf32>
    %add3A_36 = vector.broadcast %get3A_35 : vector<1x128xf32> to vector<1024x128xf32>
    %add3A_37 = arith.addf %add3A_32, %add3A_36 : vector<1024x128xf32>
    %max3A_38 = arith.constant 0.000000e+00 : f32
    %max3A_39 = vector.broadcast %max3A_38 : f32 to vector<1024x128xf32>
    %max3A_40 = arith.maximumf %add3A_37, %max3A_39 : vector<1024x128xf32>
    %swap3A = arith.constant 0 : index
    %swap3A_41 = arith.constant 0 : index
    %swap3A_42 = vector.load %arg7[%swap3A, %swap3A_41] : memref<1024x128xf32, #tpu.memory_space<vmem>>, vector<1024x128xf32>
    tpu.vector_store %arg7[%swap3A, %swap3A_41], %max3A_40 {strides = array<i32>} : memref<1024x128xf32, #tpu.memory_space<vmem>>, vector<1024x128xf32>,
    return
  }
  func.func @transform_0(%arg0: i32) -> (i32, i32) {
    %c0_i32 = arith.constant 0 : i32
    %c0_i32_0 = arith.constant 0 : i32
    return %arg0, %c0_i32 : i32, i32
  }
  func.func @transform_1(%arg0: i32) -> (i32, i32, i32) {
    %c0_i32 = arith.constant 0 : i32
    %c0_i32_0 = arith.constant 0 : i32
    %c0_i32_1 = arith.constant 0 : i32
    return %c0_i32, %arg0, %c0_i32_0 : i32, i32, i32
  }
  func.func @transform_2(%arg0: i32) -> (i32, i32, i32) {
    %c0_i32 = arith.constant 0 : i32
    %c0_i32_0 = arith.constant 0 : i32
    %c0_i32_1 = arith.constant 0 : i32
    return %c0_i32, %arg0, %c0_i32_0 : i32, i32, i32
  }
  func.func @transform_3(%arg0: i32) -> (i32, i32) {
    %c0_i32 = arith.constant 0 : i32
    %c0_i32_0 = arith.constant 0 : i32
    %c0_i32_1 = arith.constant 0 : i32
    return %c0_i32, %c0_i32_0 : i32, i32
  }
  func.func @transform_4(%arg0: i32) -> (i32, i32) {
    %c0_i32 = arith.constant 0 : i32
    %c0_i32_0 = arith.constant 0 : i32
    %c0_i32_1 = arith.constant 0 : i32
    return %c0_i32, %c0_i32_0 : i32, i32
  }
  func.func @transform_5(%arg0: i32) -> (i32, i32) {
    %c0_i32 = arith.constant 0 : i32
    %c0_i32_0 = arith.constant 0 : i32
    %c0_i32_1 = arith.constant 0 : i32
    return %c0_i32, %c0_i32_0 : i32, i32
  }
  func.func @transform_6(%arg0: i32) -> (i32, i32) {
    %c0_i32 = arith.constant 0 : i32
    %c0_i32_0 = arith.constant 0 : i32
    return %arg0, %c0_i32 : i32, i32
  }
}

</mosaic_0001>

<sc_bundles>
// kernel: kernel.10.cloned.1.call-start
scs
__scs_entry_jumppad:
0x0: {  	(pc) =	sbr.rel $0x88, $3  }
0x1: {  	(tag) =	ssettag $0x0;
	lr =	simm.s32 $0x1  }
0x2: {  	[smem:$0x3F96] =	sst lr;
	_ =	strace $0xD0000000  }
0x3: {  	_ = 	snop  }
0x4: {  	_ = 	snop  }
0x5: {  	_ = 	snop  }
0x6: {  	_ = 	snop  }
0x7: {  	_ = 	snop  }
__scs_overlays_trampoline_lowered:
0x8: {  	[smem:$0x3FA5] =	sst s0  }
0x9: {  	[smem:$0x3FA6] =	sst s1  }
0xa: {  	[smem:$0x3FA7] =	sst s2  }
0xb: {  	[smem:$0x3FA8] =	sst s3  }
0xc: {  	[smem:$0x3FA9] =	sst s4  }
0xd: {  	[smem:$0x3FAA] =	sst s5  }
0xe: {  	[smem:$0x3FAB] =	sst s6  }
0xf: {  	[smem:$0x3FAC] =	sst s7  }
0x10: {  	[smem:$0x3FAD] =	sst s8  }
0x11: {  	[smem:$0x3FAE] =	sst s9;
	s0 =	simm.s32 @!p0 $0x0  }
0x12: {  	s1 =	sld [smem:$0x3F94];
	s0 =	simm.s32 @p0 $0x1  }
0x13: {  	[smem:$0x3FAF] =	sst s0;
	s0 =	simm.s32 @!p1 $0x0  }
0x14: {  	s2 =	sld [smem:$0x3F93];
	s0 =	simm.s32 @p1 $0x1  }
0x15: {  	[smem:$0x3FB0] =	sst s0;
	s0 =	simm.s32 @!p2 $0x0  }
0x16: {  	s3 =	sld [smem:$0x3FDB];
	s0 =	simm.s32 @p2 $0x1  }
0x17: {  	s4 =	simm.s32 $0x1BF5;
	[smem:$0x3FB2] =	sst s0  }
0x18: {  	s0 =	sld [smem:$0x3F95];
	_ =	swait.ge [sflag:s4], $0x0  }
0x19: {  	s7 =	sld [smem:$0x3F96]  }
0x1a: {  	s8 =	sadd.s32 $0xFFFFE003, lr  }
0x1b: {  	s9 =	sadd.s32 $0xFFFFFEF7, lr;
	s5 =	simm.s32 $0xFFFFFFFF;
	p2 =	slt.u32 s8, $0xFFFFF086  }
0x1c: {  	p1 =	slt.u32 s9, $0xF7A;
	s5 =	simm.s32 @!p2 $0x0  }
0x1d: {  	s5 =	simm.s32 @p1 $0x1;
	p0 =	seq.s32 s7, s2  }
0x1e: {  	s7 =	smul.u32 @!p0 $0xF7A, s2;
	p2 =	seq.s32 @!p0 s5, $0x0  }
0x1f: {  	s9 =	smul.u32 $0xF7A, s1;
	s8 =	simm.s32 @!p0 $0x1BF5;
	p2 =	por !p2, p0  }
0x20: {  	[sflag:s8] =	ssyncset.s32 @!p0 $0xFFFFF086;
	s6 =	sadd.s32 @!p0 s3, s7;
	s7 =	simm.s32 @!p0 $0x108  }
0x21: {  	s3 =	sadd.s32 s3, s9;
	s6 =	sadd.s32 @!p0 $0x88, s6;
	s7 =	simm.s32 @p2 $0x1082  }
0x22: {  	[simem:s7], [sflag:s8] =	dma.local @!p0 [hbm:s6], $0xF7A  }
0x23: {  	s9 =	sor.u32 $0xD0000000, s2;
	s6 =	simm.s32 $0x108;
	_ =	swait.ge @!p0 [sflag:s8], $0x0  }
0x24: {  	s3 =	sadd.s32 $0x88, s3;
	s6 =	simm.s32 @!p1 $0x1082;
	[sflag:s4] =	ssyncset.s32 $0xFFFFF086  }
0x25: {  	[simem:s6], [sflag:s4] =	dma.local [hbm:s3], $0xF7A  }
0x26: {  	[smem:$0x3F96] =	sst s1;
	(tag) =	ssettag s2;
	_ =	strace s9  }
0x27: {  	s1 =	sld [smem:$0x3FA6]  }
0x28: {  	s2 =	sld [smem:$0x3FA7]  }
0x29: {  	s4 =	sld [smem:$0x3FA9]  }
0x2a: {  	p0 =	seq.s32 s5, $0x0;
	s5 =	sld [smem:$0x3FAA]  }
0x2b: {  	s6 =	sld [smem:$0x3FAB]  }
0x2c: {  	s7 =	sld [smem:$0x3FAC]  }
0x2d: {  	s3 =	simm.s32 $0x108;
	s8 =	sld [smem:$0x3FAD]  }
0x2e: {  	s3 =	simm.s32 @!p0 $0x1082;
	s9 =	sld [smem:$0x3FAE]  }
0x2f: {  	lr =	sadd.s32 s0, s3;
	s0 =	sld [smem:$0x3FA5]  }
0x30: {  	s3 =	sld [smem:$0x3FA8]  }
0x31: {  	[smem:$0x3FB1] =	sst s10  }
0x32: {  	s10 =	sld [smem:$0x3FAF];
	_ =	sdelay $0x3  }
0x33: {  	p0 =	seq.s32 s10, $0x1;
	s10 =	sld [smem:$0x3FB1];
	_ =	sdelay $0x3  }
0x34: {  	[smem:$0x3FB1] =	sst s10  }
0x35: {  	s10 =	sld [smem:$0x3FB0];
	_ =	sdelay $0x3  }
0x36: {  	p1 =	seq.s32 s10, $0x1;
	s10 =	sld [smem:$0x3FB1];
	_ =	sdelay $0x3  }
0x37: {  	[smem:$0x3FB1] =	sst s10  }
0x38: {  	s10 =	sld [smem:$0x3FB2]  }
0x39: {  	_ = 	snop;
	(pc) =	sbr.ind lr, $3  }
0x3a: {  	_ = 	snop  }
0x3b: {  	_ = 	snop  }
0x3c: {  	p2 =	seq.s32 s10, $0x1;
	s10 =	sld [smem:$0x3FB1]  }
0x3d: {  	_ =	shalt  }
0x3e: {  	_ =	shalt  }
0x3f: {  	_ =	shalt  }
0x40: {  	_ =	shalt  }
0x41: {  	_ =	shalt  }
0x42: {  	_ =	shalt  }
0x43: {  	_ =	shalt  }
0x44: {  	_ =	shalt  }
0x45: {  	_ =	shalt  }
0x46: {  	_ =	shalt  }
0x47: {  	_ =	shalt  }
0x48: {  	_ =	shalt  }
0x49: {  	_ =	shalt  }
0x4a: {  	_ =	shalt  }
0x4b: {  	_ =	shalt  }
0x4c: {  	_ =	shalt  }
0x4d: {  	_ =	shalt  }
0x4e: {  	_ =	shalt  }
0x4f: {  	_ =	shalt  }
0x50: {  	_ =	shalt  }
0x51: {  	_ =	shalt  }
0x52: {  	_ =	shalt  }
0x53: {  	_ =	shalt  }
0x54: {  	_ =	shalt  }
0x55: {  	_ =	shalt  }
0x56: {  	_ =	shalt  }
0x57: {  	_ =	shalt  }
0x58: {  	_ =	shalt  }
0x59: {  	_ =	shalt  }
0x5a: {  	_ =	shalt  }
0x5b: {  	_ =	shalt  }
0x5c: {  	_ =	shalt  }
0x5d: {  	_ =	shalt  }
0x5e: {  	_ =	shalt  }
0x5f: {  	_ =	shalt  }
0x60: {  	_ =	shalt  }
0x61: {  	_ =	shalt  }
0x62: {  	_ =	shalt  }
0x63: {  	_ =	shalt  }
0x64: {  	_ =	shalt  }
0x65: {  	_ =	shalt  }
0x66: {  	_ =	shalt  }
0x67: {  	_ =	shalt  }
0x68: {  	_ =	shalt  }
0x69: {  	_ =	shalt  }
0x6a: {  	_ =	shalt  }
0x6b: {  	_ =	shalt  }
0x6c: {  	_ =	shalt  }
0x6d: {  	_ =	shalt  }
0x6e: {  	_ =	shalt  }
0x6f: {  	_ =	shalt  }
0x70: {  	_ =	shalt  }
0x71: {  	_ =	shalt  }
0x72: {  	_ =	shalt  }
0x73: {  	_ =	shalt  }
0x74: {  	_ =	shalt  }
0x75: {  	_ =	shalt  }
0x76: {  	_ =	shalt  }
0x77: {  	_ =	shalt  }
0x78: {  	_ =	shalt  }
0x79: {  	_ =	shalt  }
0x7a: {  	_ =	shalt  }
0x7b: {  	_ =	shalt  }
0x7c: {  	_ =	shalt  }
0x7d: {  	_ =	shalt  }
0x7e: {  	_ =	shalt  }
0x7f: {  	_ =	shalt  }
0x80: {  	_ =	shalt  }
0x81: {  	_ =	shalt  }
0x82: {  	_ =	shalt  }
0x83: {  	_ =	shalt  }
0x84: {  	_ =	shalt  }
0x85: {  	_ =	shalt  }
0x86: {  	_ =	shalt  }
0x87: {  	_ =	shalt  }
.Lfunc_end0:
.L_simem_size_0:
called_computation.1_lowered:
.L_overlay_start_0:
0x88: {  	s2 =	sld [smem:$0x3FD9]  }
0x89: {  	s3 =	sld [smem:$0x3FFE];
	_ =	sdelay $0x1  }
0x8a: {  	s1 =	srdreg.scid  }
0x8b: {  	s0 =	sand.u32 $0x1, s1  }
0x8c: {  	s17 =	sshll.u32 s0, $0xA;
	s2 =	sadd.s32 s3, s2  }
0x8d: {  	s2 =	sadd.s32 s2, s17  }
0x8e: {  	[smem:$0x3FBD] =	sst s2  }
0x8f: {  	_ = 	snop  }
0x90: {  	s18 =	sld [smem:$0x3FD0];
	(tm) =	ssettm $0x1  }
0x91: {  	s19 =	sld [smem:$0x3FFB];
	_ =	sdelay $0x3  }
0x92: {  	_ =	strace s19  }
0x93: {  	s2 =	sld [smem:$0x3FFC];
	_ =	sdelay $0x3  }
0x94: {  	_ =	strace s2  }
0x95: {  	s2 =	sld [smem:$0x3FFD];
	_ =	sdelay $0x3  }
0x96: {  	_ =	strace s2  }
0x97: {  	_ =	strace $0x8FFFFFFF  }
0x98: {  	s20 =	sld [smem:$0x3FDB];
	_ =	sdelay $0x1  }
0x99: {  	s4 =	simm.s32 $_scs_section_size  }
0x9a: {  	s5 =	simm.s32 $_size__tile_overlayer_lowered;
	s6 =	simm.s32 $_tile_overlayer_lowered  }
0x9b: {  	s7 =	simm.s32 $0x1BFF;
	s21 =	sshll.u32 s6, $0x1;
	s4 =	sadd.s32 s4, s20  }
0x9c: {  	s22 =	simm.s32 $0x0;
	s5 =	sshll.u32 s5, $0x1;
	s6 =	sadd.s32 s21, s4  }
0x9d: {  	[timem:s22], [sflag:s7] =	dma.local [hbm:s6], s5  }
0x9e: {  	_ =	swait.ge [sflag:s7], s5  }
0x9f: {  	s5 =	ssub.s32 $0x0, s5;
	[sflag:s7] =	ssyncset.done $0x0  }
0xa0: {  	[sflag:s7] =	ssyncadd.s32 s5;
	_ =	sdelay $0x1  }
0xa1: {  	s23 =	simm.s32 $0x1B8B  }
0xa2: {  	_ =	swait.ge [sflag:s23], $0x1  }
0xa3: {  	[sflag:s23] =	ssyncset.done $0x0  }
0xa4: {  	[sflag:s23] =	ssyncadd.s32 $0xFFFFFFFF  }
0xa5: {  	s5 =	sld [smem:$0x0]  }
0xa6: {  	s6 =	sand.u32 $0xFFFFFFFE, s1  }
0xa7: {  	p0 =	sne.s32 s1, s6  }
0xa8: {  	s6 =	sshll.u32 @p0 s6, $0xE  }
0xa9: {  	s6 =	sadd.s32 @p0 $0x11B8D, s6;
	s7 =	sshll.u32 @p0 s5, $0x11  }
0xaa: {  	s6 =	sor.u32 @p0 s7, s6  }
0xab: {  	[sflag:s6] =	ssyncadd.remote.s32 @p0 $0x1;
	_ =	sdelay $0x1  }
0xac: {  	s6 =	simm.s32 @p0 $0x1B8D  }
0xad: {  	_ =	swait.eq @p0 [sflag:s6], $0x1  }
0xae: {  	[sflag:s6] =	ssyncadd.s32 @p0 $0xFFFFFFFF  }
0xaf: {  	s7 =	sshll.u32 @!p0 s1, $0xE  }
0xb0: {  	s7 =	sor.u32 @!p0 $0x4000, s7;
	s6 =	simm.s32 @!p0 $0x1B8D  }
0xb1: {  	s5 =	sshll.u32 @!p0 s5, $0x11;
	s7 =	sadd.s32 @!p0 $0x11B8D, s7;
	_ =	swait.eq @!p0 [sflag:s6], $0x1  }
0xb2: {  	s5 =	sor.u32 @!p0 s5, s7;
	[sflag:s6] =	ssyncadd.s32 @!p0 $0xFFFFFFFF  }
0xb3: {  	s25 =	simm.s32 $0x1B8E;
	s24 =	sld [smem:$0x3FFE];
	[sflag:s5] =	ssyncadd.remote.s32 @!p0 $0x1  }
0xb4: {  	s26 =	simm.s32 $execute0_lowered;
	[smem:$0x3FD2] =	sst s25  }
0xb5: {  	s6 =	sshll.u32 s26, $0x1;
	_ =	strace $0x80000049;
	[dreg:$0x1] =	wrdreg $0xFFFFFFFF  }
0xb6: {  	s28 =	simm.s32 $_size_execute0_lowered;
	s4 =	sadd.s32 s4, s6;
	[dreg:$0x0] =	wrdreg $0x0  }
0xb7: {  	s6 =	sshll.u32 s28, $0x1;
	[dreg:$0x2] =	wrdreg s4  }
0xb8: {  	[dreg:$0x3] =	wrdreg s6  }
0xb9: {  	[dreg:$0x4] =	wrdreg $0xC0  }
0xba: {  	_ =	task [dreg:s22], $0x5FFFF  }
0xbb: {  	[dreg:$0x1] =	wrdreg $0xFFFFFFFF  }
0xbc: {  	[dreg:$0x0] =	wrdreg $0x60  }
0xbd: {  	[dreg:$0x2] =	wrdreg s24  }
0xbe: {  	[dreg:$0x3] =	wrdreg s18  }
0xbf: {  	[dreg:$0x4] =	wrdreg $0x60000  }
0xc0: {  	[dreg:$0x5] =	wrdreg $0xA  }
0xc1: {  	_ =	task.clear_ibuf [dreg:s22], $0x6FFFF;
	_ =	strace $0x90000049  }
0xc2: {  	s29 =	simm.s32 $0xA;
	_ =	strace $0x8000004B  }
0xc3: {  	_ =	swait.ge [sflag:s29], $0x1  }
0xc4: {  	[sflag:s29] =	ssyncadd.s32 $0xFFFFFFFF  }
0xc5: {  	_ =	strace $0x9000004B  }
0xc6: {  	_ =	sfence  }
0xc7: {  	s30 =	sld [smem:$0x0];
	_ =	sdelay $0x2  }
0xc8: {  	s31 =	sshll.u32 s1, $0xD;
	s1 =	sshrl.u32 s1, $0x2  }
0xc9: {  	s4 =	sand.u32 $0x4000, s31;
	s1 =	sadd.s32 s1, s30  }
0xca: {  	s0 =	sor.u32 s4, s0;
	s1 =	sshll.u32 s1, $0x11  }
0xcb: {  	s0 =	sor.u32 s1, s0  }
0xcc: {  	s0 =	sadd.s32 $0x8F2B, s0  }
0xcd: {  	[sflag:s0] =	ssyncadd.remote.s32 $0x1  }
0xce: {  	_ =	sfence.sel $0xFFFF  }
0xcf: {  	[dreg:$0x0] =	wrdreg $0xFFFFFFFF;
	(pc) =	sbr.abs _section_cstart, $3  }
0xd0: {  	[dreg:$0x1] =	wrdreg $0xFFFFFFFF  }
0xd1: {  	_ =	task.clear_ibuf [dreg:s22], $0x2FFFF;
	_ =	strace $0x9FFFFFFF  }
0xd2: {  	(tm) =	ssettm $0x7FFFFFFF  }
0xd3: {  	_ =	shalt  }
tec
execute0_lowered:
.L_overlay_start_1:
0x0: {  	(tag) =	ssettag $0x1  }
0x1: {  	s5 =	rddreg [dreg:$0x0]  }
0x2: {  	s2 =	rddreg [dreg:$0x1]  }
0x3: {  	s3 =	rddreg [dreg:$0x2]  }
0x4: {  	s0 =	rddreg [dreg:$0x3]  }
0x5: {  	s6 =	srdreg.scid;
	s1 =	stileid.u32  }
0x6: {  	s4 =	simm.s32 $0x0;
	s14 =	simm.s32 $0x1;
	s15 =	simm.s32 $0x0  }
0x7: {  	s6 =	sand.u32 $0x1, s6;
	s7 =	smul.u32 $0x14000, s1;
	[smem:$0x7FF] =	sst s4  }
0x8: {  	s28 =	smul.u32 $0x50000, s1;
	s30 =	sshll.u32 s1, $0x6;
	s31 =	sshll.u32 s1, $0xB  }
0x9: {  	s8 =	sshll.u32 s6, $0xA;
	s9 =	smul.u32 $0x140000, s6;
	_ =	strace $0x8000004A  }
0xa: {  	s6 =	ssub.s32 $0x2, s6;
	s8 =	sadd.s32 s8, s5;
	s10 =	sshrl.u32 s7, $0x3  }
0xb: {  	s11 =	sshrl.u32 s6, $0x1;
	s29 =	sshrl.u32 s28, $0x2;
	s7 =	sadd.s32 s7, s9  }
0xc: {  	s10 =	sadd.s32 s10, s5;
	s11 =	ssub.s32 s6, s11;
	s13 =	sadd.s32 s29, s3  }
0xd: {  	s6 =	sor.u32 $0x1C02, s30;
	s7 =	sshrl.u32 s7, $0x3;
	s9 =	smax.u32 s11, $0x1  }
0xe: {  	s11 =	simm.s32 $0x2;
	s12 =	sadd.s32 s7, s5;
	s5 =	sadd.s32 $0x13000, s10  }
0xf: {  	s7 =	sadd.s32 s31, s8;
	s10 =	sshrl.u32 s13, $0x3;
	s13 =	simm.s32 $0x7D  }
0x10: {  	s7 =	sadd.s32 $0x3000, s7;
	s8 =	sadd.s32 $0x8B000, s12;
	s12 =	simm.s32 $0x2000  }
.LBB2_1:
0x11: {  	[spmem:s10], [sflag:s6] =	dma.local [hbm:s5], $0x2800  }
0x12: {  	_ =	swait.ge [sflag:s11], $0x2800  }
0x13: {  	[sflag:s11] =	ssyncset.done $0x0  }
0x14: {  	[sflag:s11] =	ssyncadd.s32 $0xFFFFD800  }
0x15: {  	[tilespmem:s4], [sflag:$0x2] =	stream.linear.gather [hbm4b:s7+s4], $0x2000, $0x38;
	[tilespmem:$0x1A000] =	vst v63  }
0x16: {  	_ =	swait.ge [sflag:s11], $0x2000  }
0x17: {  	[sflag:s11] =	ssyncset.done $0x0  }
0x18: {  	[sflag:s11] =	ssyncadd.s32 $0xFFFFE000  }
0x19: {  	[tilespmem:s12], [sflag:$0x2] =	stream.linear.gather [hbm4b:s2+s4], $0x3E80, $0x38;
	[tilespmem:$0x1A000] =	vst v63  }
0x1a: {  	_ =	swait.ge [sflag:s11], $0x3E80  }
0x1b: {  	[sflag:s11] =	ssyncset.done $0x0  }
0x1c: {  	[sflag:s11] =	ssyncadd.s32 $0xFFFFC180  }
0x1d: {  	s16 =	simm.s32 $0x0;
	[bflag:$0x0] =	sbarrier.arrive $0xFFFF  }
.LBB2_2:
0x1e: {  	p0 =	sne.s32 s16, $0x7E00  }
.Ltmp0:
0x1f: {  	_ = 	snop;
	(pc) =	sbr.rel @p0 .LBB2_2-.Ltmp0, $3  }
0x20: {  	_ =	sdelay $0x1  }
0x21: {  	s17 =	sshra.s32 s16, $0x2;
	s16 =	sadd.s32 $0x200, s16  }
0x22: {  	[spmem:s3] =	stream.indirect.scatter.add.f32 [tilespmem:s12], [sflag:$0x1], $0x80, s17, s13, $0xb8;
	[tilespmem:$0x1A000] =	vst v63  }
0x23: {  	_ =	swait.ge [sflag:s14], $0x3E80  }
0x24: {  	s16 =	simm.s32 $0x3F;
	[sflag:s14] =	ssyncset.done $0x0  }
.LBB2_4:
0x25: {  	p0 =	sne.s32 s16, $0x1;
	s16 =	sadd.s32 $0xFFFFFFFF, s16;
	[sflag:s14] =	ssyncadd.s32 $0xFFFFC180  }
.Ltmp1:
0x26: {  	(pc) =	sbr.rel @p0 .LBB2_4-.Ltmp1, $3  }
0x27: {  	_ =	sdelay $0x1  }
0x28: {  	_ =	swait.ge [sflag:s14], $0x3E80  }
0x29: {  	[sflag:s14] =	ssyncset.done $0x0  }
0x2a: {  	s15 =	sadd.s32 $0x1, s15  }
0x2b: {  	[sflag:s14] =	ssyncadd.s32 $0xFFFFC180;
	p0 =	sne.s32 s15, s9  }
.Ltmp2:
0x2c: {  	[bflag:$0x0] =	sbarrier.arrive $0xFFFF;
	(pc) =	sbr.rel @p0 .LBB2_1-.Ltmp2, $4  }
0x2d: {  	[hbm:s8], [sflag:s6] =	dma.local [spmem:s10], $0x2800  }
0x2e: {  	_ =	swait.ge [sflag:s11], $0x2800  }
0x2f: {  	[sflag:s11] =	ssyncset.done $0x0  }
0x30: {  	[sflag:s11] =	ssyncadd.s32 $0xFFFFD800  }
0x31: {  	_ =	sfence.sel $0x180000  }
0x32: {  	[bflag:$0x0] =	sbarrier.arrive $0xFFFF  }
0x33: {  	p0 =	sne.s32 s1, $0x0;
	_ =	strace $0x9000004A  }
0x34: {  	s0 =	sadd.s32 @!p0 $0x100000, s0;
	[bflag:$0x2] =	sbarrier.arrive $0xFFFF  }
0x35: {  	[sflag:s0] =	ssyncadd.tile.s32 @!p0 $0x1;
	_ =	shalt  }
.Lfunc_end2:
_tile_overlayer_lowered:
.L_overlay_start_2:
0x36: {  	(tag) =	ssettag $0x2  }
0x37: {  	s0 =	rddreg [dreg:$0x0];
	s2 =	stileid.u32  }
0x38: {  	s1 =	rddreg [dreg:$0x1];
	p0 =	sne.s32 s2, $0x0  }
0x39: {  	s3 =	rddreg [dreg:$0x2];
	[bflag:$0x3] =	sbarrier.arrive $0xFFFF;
	s2 =	simm.s32 @!p0 $0x1C02  }
0x3a: {  	[timem:s3], [sflag:s2] =	dma.local @!p0 [hbm:s0], s1  }
0x3b: {  	s0 =	simm.s32 @!p0 $0x2  }
0x3c: {  	_ =	swait.ge @!p0 [sflag:s0], s1  }
0x3d: {  	s1 =	ssub.s32 @!p0 $0x0, s1;
	[sflag:s0] =	ssyncset.done @!p0 $0x0  }
0x3e: {  	[sflag:s0] =	ssyncadd.s32 @!p0 s1  }
0x3f: {  	[bflag:$0x3] =	sbarrier.arrive $0xFFFF  }
0x40: {  	_ =	shalt  }

// kernel: kernel.13.cloned.1.call-start
scs
__scs_entry_jumppad:
0x0: {  	(pc) =	sbr.rel $0x88, $3  }
0x1: {  	(tag) =	ssettag $0x0;
	lr =	simm.s32 $0x1  }
0x2: {  	[smem:$0x3F96] =	sst lr;
	_ =	strace $0xD0000000  }
0x3: {  	_ = 	snop  }
0x4: {  	_ = 	snop  }
0x5: {  	_ = 	snop  }
0x6: {  	_ = 	snop  }
0x7: {  	_ = 	snop  }
__scs_overlays_trampoline_lowered:
0x8: {  	[smem:$0x3FA5] =	sst s0  }
0x9: {  	[smem:$0x3FA6] =	sst s1  }
0xa: {  	[smem:$0x3FA7] =	sst s2  }
0xb: {  	[smem:$0x3FA8] =	sst s3  }
0xc: {  	[smem:$0x3FA9] =	sst s4  }
0xd: {  	[smem:$0x3FAA] =	sst s5  }
0xe: {  	[smem:$0x3FAB] =	sst s6  }
0xf: {  	[smem:$0x3FAC] =	sst s7  }
0x10: {  	[smem:$0x3FAD] =	sst s8  }
0x11: {  	[smem:$0x3FAE] =	sst s9;
	s0 =	simm.s32 @!p0 $0x0  }
0x12: {  	s1 =	sld [smem:$0x3F94];
	s0 =	simm.s32 @p0 $0x1  }
0x13: {  	[smem:$0x3FAF] =	sst s0;
	s0 =	simm.s32 @!p1 $0x0  }
0x14: {  	s2 =	sld [smem:$0x3F93];
	s0 =	simm.s32 @p1 $0x1  }
0x15: {  	[smem:$0x3FB0] =	sst s0;
	s0 =	simm.s32 @!p2 $0x0  }
0x16: {  	s3 =	sld [smem:$0x3FDB];
	s0 =	simm.s32 @p2 $0x1  }
0x17: {  	s4 =	simm.s32 $0x1BF5;
	[smem:$0x3FB2] =	sst s0  }
0x18: {  	s0 =	sld [smem:$0x3F95];
	_ =	swait.ge [sflag:s4], $0x0  }
0x19: {  	s7 =	sld [smem:$0x3F96]  }
0x1a: {  	s8 =	sadd.s32 $0xFFFFE003, lr  }
0x1b: {  	s9 =	sadd.s32 $0xFFFFFEF7, lr;
	s5 =	simm.s32 $0xFFFFFFFF;
	p2 =	slt.u32 s8, $0xFFFFF086  }
0x1c: {  	p1 =	slt.u32 s9, $0xF7A;
	s5 =	simm.s32 @!p2 $0x0  }
0x1d: {  	s5 =	simm.s32 @p1 $0x1;
	p0 =	seq.s32 s7, s2  }
0x1e: {  	s7 =	smul.u32 @!p0 $0xF7A, s2;
	p2 =	seq.s32 @!p0 s5, $0x0  }
0x1f: {  	s9 =	smul.u32 $0xF7A, s1;
	s8 =	simm.s32 @!p0 $0x1BF5;
	p2 =	por !p2, p0  }
0x20: {  	[sflag:s8] =	ssyncset.s32 @!p0 $0xFFFFF086;
	s6 =	sadd.s32 @!p0 s3, s7;
	s7 =	simm.s32 @!p0 $0x108  }
0x21: {  	s3 =	sadd.s32 s3, s9;
	s6 =	sadd.s32 @!p0 $0x88, s6;
	s7 =	simm.s32 @p2 $0x1082  }
0x22: {  	[simem:s7], [sflag:s8] =	dma.local @!p0 [hbm:s6], $0xF7A  }
0x23: {  	s9 =	sor.u32 $0xD0000000, s2;
	s6 =	simm.s32 $0x108;
	_ =	swait.ge @!p0 [sflag:s8], $0x0  }
0x24: {  	s3 =	sadd.s32 $0x88, s3;
	s6 =	simm.s32 @!p1 $0x1082;
	[sflag:s4] =	ssyncset.s32 $0xFFFFF086  }
0x25: {  	[simem:s6], [sflag:s4] =	dma.local [hbm:s3], $0xF7A  }
0x26: {  	[smem:$0x3F96] =	sst s1;
	(tag) =	ssettag s2;
	_ =	strace s9  }
0x27: {  	s1 =	sld [smem:$0x3FA6]  }
0x28: {  	s2 =	sld [smem:$0x3FA7]  }
0x29: {  	s4 =	sld [smem:$0x3FA9]  }
0x2a: {  	p0 =	seq.s32 s5, $0x0;
	s5 =	sld [smem:$0x3FAA]  }
0x2b: {  	s6 =	sld [smem:$0x3FAB]  }
0x2c: {  	s7 =	sld [smem:$0x3FAC]  }
0x2d: {  	s3 =	simm.s32 $0x108;
	s8 =	sld [smem:$0x3FAD]  }
0x2e: {  	s3 =	simm.s32 @!p0 $0x1082;
	s9 =	sld [smem:$0x3FAE]  }
0x2f: {  	lr =	sadd.s32 s0, s3;
	s0 =	sld [smem:$0x3FA5]  }
0x30: {  	s3 =	sld [smem:$0x3FA8]  }
0x31: {  	[smem:$0x3FB1] =	sst s10  }
0x32: {  	s10 =	sld [smem:$0x3FAF];
	_ =	sdelay $0x3  }
0x33: {  	p0 =	seq.s32 s10, $0x1;
	s10 =	sld [smem:$0x3FB1];
	_ =	sdelay $0x3  }
0x34: {  	[smem:$0x3FB1] =	sst s10  }
0x35: {  	s10 =	sld [smem:$0x3FB0];
	_ =	sdelay $0x3  }
0x36: {  	p1 =	seq.s32 s10, $0x1;
	s10 =	sld [smem:$0x3FB1];
	_ =	sdelay $0x3  }
0x37: {  	[smem:$0x3FB1] =	sst s10  }
0x38: {  	s10 =	sld [smem:$0x3FB2]  }
0x39: {  	_ = 	snop;
	(pc) =	sbr.ind lr, $3  }
0x3a: {  	_ = 	snop  }
0x3b: {  	_ = 	snop  }
0x3c: {  	p2 =	seq.s32 s10, $0x1;
	s10 =	sld [smem:$0x3FB1]  }
0x3d: {  	_ =	shalt  }
0x3e: {  	_ =	shalt  }
0x3f: {  	_ =	shalt  }
0x40: {  	_ =	shalt  }
0x41: {  	_ =	shalt  }
0x42: {  	_ =	shalt  }
0x43: {  	_ =	shalt  }
0x44: {  	_ =	shalt  }
0x45: {  	_ =	shalt  }
0x46: {  	_ =	shalt  }
0x47: {  	_ =	shalt  }
0x48: {  	_ =	shalt  }
0x49: {  	_ =	shalt  }
0x4a: {  	_ =	shalt  }
0x4b: {  	_ =	shalt  }
0x4c: {  	_ =	shalt  }
0x4d: {  	_ =	shalt  }
0x4e: {  	_ =	shalt  }
0x4f: {  	_ =	shalt  }
0x50: {  	_ =	shalt  }
0x51: {  	_ =	shalt  }
0x52: {  	_ =	shalt  }
0x53: {  	_ =	shalt  }
0x54: {  	_ =	shalt  }
0x55: {  	_ =	shalt  }
0x56: {  	_ =	shalt  }
0x57: {  	_ =	shalt  }
0x58: {  	_ =	shalt  }
0x59: {  	_ =	shalt  }
0x5a: {  	_ =	shalt  }
0x5b: {  	_ =	shalt  }
0x5c: {  	_ =	shalt  }
0x5d: {  	_ =	shalt  }
0x5e: {  	_ =	shalt  }
0x5f: {  	_ =	shalt  }
0x60: {  	_ =	shalt  }
0x61: {  	_ =	shalt  }
0x62: {  	_ =	shalt  }
0x63: {  	_ =	shalt  }
0x64: {  	_ =	shalt  }
0x65: {  	_ =	shalt  }
0x66: {  	_ =	shalt  }
0x67: {  	_ =	shalt  }
0x68: {  	_ =	shalt  }
0x69: {  	_ =	shalt  }
0x6a: {  	_ =	shalt  }
0x6b: {  	_ =	shalt  }
0x6c: {  	_ =	shalt  }
0x6d: {  	_ =	shalt  }
0x6e: {  	_ =	shalt  }
0x6f: {  	_ =	shalt  }
0x70: {  	_ =	shalt  }
0x71: {  	_ =	shalt  }
0x72: {  	_ =	shalt  }
0x73: {  	_ =	shalt  }
0x74: {  	_ =	shalt  }
0x75: {  	_ =	shalt  }
0x76: {  	_ =	shalt  }
0x77: {  	_ =	shalt  }
0x78: {  	_ =	shalt  }
0x79: {  	_ =	shalt  }
0x7a: {  	_ =	shalt  }
0x7b: {  	_ =	shalt  }
0x7c: {  	_ =	shalt  }
0x7d: {  	_ =	shalt  }
0x7e: {  	_ =	shalt  }
0x7f: {  	_ =	shalt  }
0x80: {  	_ =	shalt  }
0x81: {  	_ =	shalt  }
0x82: {  	_ =	shalt  }
0x83: {  	_ =	shalt  }
0x84: {  	_ =	shalt  }
0x85: {  	_ =	shalt  }
0x86: {  	_ =	shalt  }
0x87: {  	_ =	shalt  }
.Lfunc_end0:
.L_simem_size_0:
called_computation.2_lowered:
.L_overlay_start_0:
0x88: {  	s2 =	sld [smem:$0x3FD9]  }
0x89: {  	s3 =	sld [smem:$0x3FFE];
	_ =	sdelay $0x1  }
0x8a: {  	s1 =	srdreg.scid  }
0x8b: {  	s0 =	sand.u32 $0x1, s1  }
0x8c: {  	s17 =	sshll.u32 s0, $0xA;
	s2 =	sadd.s32 s3, s2  }
0x8d: {  	s2 =	sadd.s32 s2, s17  }
0x8e: {  	[smem:$0x3FBD] =	sst s2  }
0x8f: {  	_ = 	snop  }
0x90: {  	s2 =	sld [smem:$0x3FD0];
	(tm) =	ssettm $0x1  }
0x91: {  	s18 =	sld [smem:$0x3FFB];
	_ =	sdelay $0x3  }
0x92: {  	_ =	strace s18  }
0x93: {  	s3 =	sld [smem:$0x3FFC];
	_ =	sdelay $0x3  }
0x94: {  	_ =	strace s3  }
0x95: {  	s3 =	sld [smem:$0x3FFD];
	_ =	sdelay $0x3  }
0x96: {  	_ =	strace s3  }
0x97: {  	_ =	strace $0x8FFFFFFF  }
0x98: {  	s19 =	sld [smem:$0x3FDB];
	_ =	sdelay $0x1  }
0x99: {  	s4 =	simm.s32 $_scs_section_size  }
0x9a: {  	s5 =	simm.s32 $_size__tile_overlayer_lowered;
	s6 =	simm.s32 $_tile_overlayer_lowered  }
0x9b: {  	s22 =	simm.s32 $0x1BFF;
	s21 =	sshll.u32 s6, $0x1;
	s3 =	sadd.s32 s4, s19  }
0x9c: {  	s7 =	simm.s32 $0x0;
	s20 =	sshll.u32 s5, $0x1;
	s5 =	sadd.s32 s21, s3  }
0x9d: {  	[timem:s7], [sflag:s22] =	dma.local [hbm:s5], s20  }
0x9e: {  	_ =	swait.ge [sflag:s22], s20  }
0x9f: {  	s4 =	ssub.s32 $0x0, s20;
	[sflag:s22] =	ssyncset.done $0x0  }
0xa0: {  	[sflag:s22] =	ssyncadd.s32 s4;
	_ =	sdelay $0x1  }
0xa1: {  	s23 =	simm.s32 $0x1B8B  }
0xa2: {  	_ =	swait.ge [sflag:s23], $0x1  }
0xa3: {  	[sflag:s23] =	ssyncset.done $0x0  }
0xa4: {  	s25 =	simm.s32 $0x1B8E;
	s24 =	sld [smem:$0x3FFE];
	[sflag:s23] =	ssyncadd.s32 $0xFFFFFFFF  }
0xa5: {  	s26 =	simm.s32 $execute0_lowered;
	[smem:$0x3FD2] =	sst s25  }
0xa6: {  	s5 =	sshll.u32 s26, $0x1;
	_ =	strace $0x8000004C;
	[dreg:$0x1] =	wrdreg $0xFFFFFFFF  }
0xa7: {  	s28 =	simm.s32 $_size_execute0_lowered;
	s3 =	sadd.s32 s3, s5;
	[dreg:$0x0] =	wrdreg $0x0  }
0xa8: {  	s5 =	sshll.u32 s28, $0x1;
	[dreg:$0x2] =	wrdreg s3  }
0xa9: {  	[dreg:$0x3] =	wrdreg s5  }
0xaa: {  	[dreg:$0x4] =	wrdreg $0xC0  }
0xab: {  	_ =	task [dreg:s7], $0x5FFFF  }
0xac: {  	[dreg:$0x1] =	wrdreg $0xFFFFFFFF  }
0xad: {  	[dreg:$0x0] =	wrdreg $0x60  }
0xae: {  	[dreg:$0x2] =	wrdreg s24  }
0xaf: {  	[dreg:$0x3] =	wrdreg s2  }
0xb0: {  	[dreg:$0x4] =	wrdreg $0x54000  }
0xb1: {  	[dreg:$0x5] =	wrdreg $0x74000  }
0xb2: {  	[dreg:$0x6] =	wrdreg $0x9  }
0xb3: {  	_ =	task.clear_ibuf [dreg:s7], $0x7FFFF;
	_ =	strace $0x9000004C  }
0xb4: {  	s29 =	simm.s32 $0x9;
	_ =	strace $0x8000004E  }
0xb5: {  	_ =	swait.ge [sflag:s29], $0x1  }
0xb6: {  	[sflag:s29] =	ssyncadd.s32 $0xFFFFFFFF  }
0xb7: {  	_ =	strace $0x9000004E  }
0xb8: {  	_ =	sfence  }
0xb9: {  	s30 =	sld [smem:$0x0];
	_ =	sdelay $0x2  }
0xba: {  	s31 =	sshll.u32 s1, $0xD;
	s1 =	sshrl.u32 s1, $0x2  }
0xbb: {  	s3 =	sand.u32 $0x4000, s31;
	s1 =	sadd.s32 s1, s30  }
0xbc: {  	s0 =	sor.u32 s3, s0;
	s1 =	sshll.u32 s1, $0x11  }
0xbd: {  	s0 =	sor.u32 s1, s0  }
0xbe: {  	s0 =	sadd.s32 $0x8F2B, s0  }
0xbf: {  	[sflag:s0] =	ssyncadd.remote.s32 $0x1  }
0xc0: {  	_ =	sfence.sel $0xFFFF  }
0xc1: {  	[dreg:$0x0] =	wrdreg $0xFFFFFFFF;
	(pc) =	sbr.abs _section_cstart, $3  }
0xc2: {  	[dreg:$0x1] =	wrdreg $0xFFFFFFFF  }
0xc3: {  	_ =	task.clear_ibuf [dreg:s7], $0x2FFFF;
	_ =	strace $0x9FFFFFFF  }
0xc4: {  	(tm) =	ssettm $0x7FFFFFFF  }
0xc5: {  	_ =	shalt  }
tec
execute0_lowered:
.L_overlay_start_1:
0x0: {  	(tag) =	ssettag $0x1  }
0x1: {  	s28 =	rddreg [dreg:$0x0]  }
0x2: {  	s1 =	rddreg [dreg:$0x1]  }
0x3: {  	s3 =	rddreg [dreg:$0x2]  }
0x4: {  	s4 =	rddreg [dreg:$0x3]  }
0x5: {  	s0 =	rddreg [dreg:$0x4];
	s5 =	simm.s32 $0x0;
	s2 =	stileid.u32  }
0x6: {  	s11 =	srdreg.scid;
	[smem:$0x7FF] =	sst s5;
	s10 =	sshll.u32 s2, $0xA  }
0x7: {  	s29 =	sshll.u32 s2, $0xD;
	s7 =	sshll.u32 s2, $0x6;
	_ =	strace $0x8000004D  }
0x8: {  	s6 =	sadd.s32 s10, s28;
	s8 =	sadd.s32 s29, s3;
	s7 =	sor.u32 $0x1C04, s7  }
0x9: {  	s6 =	sadd.s32 $0x2B000, s6;
	s9 =	sshrl.u32 s8, $0x3;
	s8 =	simm.s32 $0x4  }
0xa: {  	[spmem:s9], [sflag:s7] =	dma.local [hbm:s6], $0x400  }
0xb: {  	s30 =	sand.u32 $0x1, s11;
	_ =	swait.ge [sflag:s8], $0x400  }
0xc: {  	s11 =	sshll.u32 s30, $0x9;
	s12 =	sadd.s32 s29, s4;
	[sflag:s8] =	ssyncset.done $0x0  }
0xd: {  	s11 =	sor.u32 s11, s10;
	s10 =	sshrl.u32 s12, $0x3;
	[sflag:s8] =	ssyncadd.s32 $0xFFFFFC00  }
0xe: {  	[spmem:s10], [sflag:s7] =	dma.local [hbm:s6], $0x400  }
0xf: {  	s11 =	sshrl.u32 s11, $0x3;
	_ =	swait.ge [sflag:s8], $0x400  }
0x10: {  	s31 =	sadd.s32 s11, s28;
	[sflag:s8] =	ssyncset.done $0x0  }
0x11: {  	s11 =	sadd.s32 $0xDB000, s31;
	[sflag:s8] =	ssyncadd.s32 $0xFFFFFC00  }
0x12: {  	[tilespmem:s5], [sflag:$0x4] =	stream.linear.gather [hbm4b:s11+s5], $0x200, $0x38;
	[tilespmem:$0x9400] =	vst v63  }
0x13: {  	_ =	swait.ge [sflag:s8], $0x200  }
0x14: {  	[sflag:s8] =	ssyncset.done $0x0  }
0x15: {  	s13 =	simm.s32 $0x200;
	s12 =	sadd.s32 $0xDB800, s31;
	[sflag:s8] =	ssyncadd.s32 $0xFFFFFE00  }
0x16: {  	[tilespmem:s13], [sflag:$0x4] =	stream.linear.gather [hbm4b:s12+s5], $0x200, $0x38;
	[tilespmem:$0x9400] =	vst v63  }
0x17: {  	_ =	swait.ge [sflag:s8], $0x200  }
0x18: {  	[sflag:s8] =	ssyncset.done $0x0  }
0x19: {  	s14 =	simm.s32 $0x2C00;
	[sflag:s8] =	ssyncadd.s32 $0xFFFFFE00  }
0x1a: {  	[tilespmem:s14], [sflag:$0x4] =	stream.linear.gather [hbm4b:s1+s5], $0x2800, $0x38;
	[tilespmem:$0x9400] =	vst v63  }
0x1b: {  	_ =	swait.ge [sflag:s8], $0x2800  }
0x1c: {  	[sflag:s8] =	ssyncset.done $0x0  }
0x1d: {  	s16 =	simm.s32 $0x50;
	s17 =	simm.s32 $0x400;
	[sflag:s8] =	ssyncadd.s32 $0xFFFFD800  }
0x1e: {  	s18 =	simm.s32 $0x1;
	s15 =	sadd.s32 $0x3000, s28;
	[bflag:$0x0] =	sbarrier.arrive $0xFFFF  }
0x1f: {  	[tilespmem:s17], [sflag:$0x1] =	stream.indirect.gather [hbm4b:s15+s16], $0x80, s5, s16, $0xb8;
	[tilespmem:$0x9400] =	vst v63  }
0x20: {  	_ =	swait.ge [sflag:s18], $0x2800  }
0x21: {  	[sflag:s18] =	ssyncset.done $0x0  }
0x22: {  	[sflag:s18] =	ssyncadd.s32 $0xFFFFD800  }
0x23: {  	[spmem:s3] =	stream.indirect.scatter.add.f32 [tilespmem:s17], [sflag:$0x2], $0x80, s13, s16, $0xb8;
	[tilespmem:$0x9400] =	vst v63  }
0x24: {  	s19 =	simm.s32 $0x2  }
0x25: {  	[spmem:s4] =	stream.indirect.scatter.add.f32 [tilespmem:s14], [sflag:$0x3], $0x80, s13, s16, $0xb8;
	[tilespmem:$0x9400] =	vst v63  }
0x26: {  	_ =	swait.ge [sflag:s19], $0x2800  }
0x27: {  	[sflag:s19] =	ssyncset.done $0x0  }
0x28: {  	s20 =	simm.s32 $0x3;
	[sflag:s19] =	ssyncadd.s32 $0xFFFFD800  }
0x29: {  	_ =	swait.ge [sflag:s20], $0x2800  }
0x2a: {  	[sflag:s20] =	ssyncset.done $0x0  }
0x2b: {  	s21 =	simm.s32 $0x80;
	[sflag:s20] =	ssyncadd.s32 $0xFFFFD800  }
0x2c: {  	[tilespmem:s17], [sflag:$0x1] =	stream.indirect.gather [hbm4b:s15+s16], $0x80, s21, s16, $0xb8;
	[tilespmem:$0x9400] =	vst v63  }
0x2d: {  	_ =	swait.ge [sflag:s18], $0x2800  }
0x2e: {  	[sflag:s18] =	ssyncset.done $0x0  }
0x2f: {  	s22 =	simm.s32 $0x280;
	[sflag:s18] =	ssyncadd.s32 $0xFFFFD800  }
0x30: {  	[spmem:s3] =	stream.indirect.scatter.add.f32 [tilespmem:s17], [sflag:$0x2], $0x80, s22, s16, $0xb8;
	[tilespmem:$0x9400] =	vst v63  }
0x31: {  	_ = 	snop  }
0x32: {  	[spmem:s4] =	stream.indirect.scatter.add.f32 [tilespmem:s14], [sflag:$0x3], $0x80, s22, s16, $0xb8;
	[tilespmem:$0x9400] =	vst v63  }
0x33: {  	_ =	swait.ge [sflag:s19], $0x2800  }
0x34: {  	[sflag:s19] =	ssyncset.done $0x0  }
0x35: {  	[sflag:s19] =	ssyncadd.s32 $0xFFFFD800  }
0x36: {  	_ =	swait.ge [sflag:s20], $0x2800  }
0x37: {  	[sflag:s20] =	ssyncset.done $0x0  }
0x38: {  	s23 =	simm.s32 $0x100;
	[sflag:s20] =	ssyncadd.s32 $0xFFFFD800  }
0x39: {  	[tilespmem:s17], [sflag:$0x1] =	stream.indirect.gather [hbm4b:s15+s16], $0x80, s23, s16, $0xb8;
	[tilespmem:$0x9400] =	vst v63  }
0x3a: {  	_ =	swait.ge [sflag:s18], $0x2800  }
0x3b: {  	[sflag:s18] =	ssyncset.done $0x0  }
0x3c: {  	s24 =	simm.s32 $0x300;
	[sflag:s18] =	ssyncadd.s32 $0xFFFFD800  }
0x3d: {  	[spmem:s3] =	stream.indirect.scatter.add.f32 [tilespmem:s17], [sflag:$0x2], $0x80, s24, s16, $0xb8;
	[tilespmem:$0x9400] =	vst v63  }
0x3e: {  	_ = 	snop  }
0x3f: {  	[spmem:s4] =	stream.indirect.scatter.add.f32 [tilespmem:s14], [sflag:$0x3], $0x80, s24, s16, $0xb8;
	[tilespmem:$0x9400] =	vst v63  }
0x40: {  	_ =	swait.ge [sflag:s19], $0x2800  }
0x41: {  	[sflag:s19] =	ssyncset.done $0x0  }
0x42: {  	[sflag:s19] =	ssyncadd.s32 $0xFFFFD800  }
0x43: {  	_ =	swait.ge [sflag:s20], $0x2800  }
0x44: {  	[sflag:s20] =	ssyncset.done $0x0  }
0x45: {  	s25 =	simm.s32 $0x180;
	[sflag:s20] =	ssyncadd.s32 $0xFFFFD800  }
0x46: {  	[tilespmem:s17], [sflag:$0x1] =	stream.indirect.gather [hbm4b:s15+s16], $0x80, s25, s16, $0xb8;
	[tilespmem:$0x9400] =	vst v63  }
0x47: {  	_ =	swait.ge [sflag:s18], $0x2800  }
0x48: {  	[sflag:s18] =	ssyncset.done $0x0  }
0x49: {  	s26 =	simm.s32 $0x380;
	[sflag:s18] =	ssyncadd.s32 $0xFFFFD800  }
0x4a: {  	[spmem:s3] =	stream.indirect.scatter.add.f32 [tilespmem:s17], [sflag:$0x2], $0x80, s26, s16, $0xb8;
	[tilespmem:$0x9400] =	vst v63  }
0x4b: {  	_ = 	snop  }
0x4c: {  	[spmem:s4] =	stream.indirect.scatter.add.f32 [tilespmem:s14], [sflag:$0x3], $0x80, s26, s16, $0xb8;
	[tilespmem:$0x9400] =	vst v63  }
0x4d: {  	_ =	swait.ge [sflag:s19], $0x2800  }
0x4e: {  	[sflag:s19] =	ssyncset.done $0x0  }
0x4f: {  	s31 =	sshll.u32 s30, $0x11;
	[sflag:s19] =	ssyncadd.s32 $0xFFFFD800  }
0x50: {  	s30 =	ssub.s32 $0x2, s30;
	s29 =	sor.u32 s29, s31;
	_ =	swait.ge [sflag:s20], $0x2800  }
0x51: {  	s31 =	sshrl.u32 s30, $0x1;
	s29 =	sshrl.u32 s29, $0x3;
	[sflag:s20] =	ssyncset.done $0x0  }
0x52: {  	s30 =	ssub.s32 s30, s31;
	s29 =	sadd.s32 s29, s28;
	[sflag:s20] =	ssyncadd.s32 $0xFFFFD800  }
0x53: {  	s30 =	smax.u32 s30, $0x1;
	s28 =	sadd.s32 $0x2F000, s29;
	[bflag:$0x0] =	sbarrier.arrive $0xFFFF  }
0x54: {  	[hbm:s28], [sflag:s7] =	dma.local [spmem:s9], $0x400  }
0x55: {  	p0 =	sne.s32 s30, $0x1;
	_ =	swait.ge [sflag:s8], $0x400  }
.Ltmp0:
0x56: {  	[sflag:s8] =	ssyncset.done $0x0;
	(pc) =	sbr.rel @!p0 .LBB2_2-.Ltmp0, $4  }
0x57: {  	s29 =	sadd.s32 $0x37000, s29;
	[sflag:s8] =	ssyncadd.s32 $0xFFFFFC00  }
0x58: {  	[hbm:s29], [sflag:s7] =	dma.local [spmem:s10], $0x400  }
0x59: {  	_ =	swait.ge [sflag:s8], $0x400  }
0x5a: {  	s30 =	sadd.s32 $0xFFFFFFFF, s30;
	[sflag:s8] =	ssyncset.done $0x0  }
.LBB2_1:
0x5b: {  	p0 =	sne.s32 s30, $0x1;
	s30 =	sadd.s32 $0xFFFFFFFF, s30;
	[sflag:s8] =	ssyncadd.s32 $0xFFFFFC00  }
0x5c: {  	[spmem:s9], [sflag:s7] =	dma.local [hbm:s6], $0x400  }
0x5d: {  	_ =	swait.ge [sflag:s8], $0x400  }
0x5e: {  	[sflag:s8] =	ssyncset.done $0x0  }
0x5f: {  	[sflag:s8] =	ssyncadd.s32 $0xFFFFFC00  }
0x60: {  	[spmem:s10], [sflag:s7] =	dma.local [hbm:s6], $0x400  }
0x61: {  	_ =	swait.ge [sflag:s8], $0x400  }
0x62: {  	[sflag:s8] =	ssyncset.done $0x0  }
0x63: {  	[sflag:s8] =	ssyncadd.s32 $0xFFFFFC00  }
0x64: {  	[tilespmem:s5], [sflag:$0x4] =	stream.linear.gather [hbm4b:s11+s5], $0x200, $0x38;
	[tilespmem:$0x9400] =	vst v63  }
0x65: {  	_ =	swait.ge [sflag:s8], $0x200  }
0x66: {  	[sflag:s8] =	ssyncset.done $0x0  }
0x67: {  	[sflag:s8] =	ssyncadd.s32 $0xFFFFFE00  }
0x68: {  	[tilespmem:s13], [sflag:$0x4] =	stream.linear.gather [hbm4b:s12+s5], $0x200, $0x38;
	[tilespmem:$0x9400] =	vst v63  }
0x69: {  	_ =	swait.ge [sflag:s8], $0x200  }
0x6a: {  	[sflag:s8] =	ssyncset.done $0x0  }
0x6b: {  	[sflag:s8] =	ssyncadd.s32 $0xFFFFFE00  }
0x6c: {  	[tilespmem:s14], [sflag:$0x4] =	stream.linear.gather [hbm4b:s1+s5], $0x2800, $0x38;
	[tilespmem:$0x9400] =	vst v63  }
0x6d: {  	_ =	swait.ge [sflag:s8], $0x2800  }
0x6e: {  	[sflag:s8] =	ssyncset.done $0x0  }
0x6f: {  	[sflag:s8] =	ssyncadd.s32 $0xFFFFD800  }
0x70: {  	[bflag:$0x0] =	sbarrier.arrive $0xFFFF  }
0x71: {  	[tilespmem:s17], [sflag:$0x1] =	stream.indirect.gather [hbm4b:s15+s16], $0x80, s5, s16, $0xb8;
	[tilespmem:$0x9400] =	vst v63  }
0x72: {  	_ =	swait.ge [sflag:s18], $0x2800  }
0x73: {  	[sflag:s18] =	ssyncset.done $0x0  }
0x74: {  	[sflag:s18] =	ssyncadd.s32 $0xFFFFD800  }
0x75: {  	[spmem:s3] =	stream.indirect.scatter.add.f32 [tilespmem:s17], [sflag:$0x2], $0x80, s13, s16, $0xb8;
	[tilespmem:$0x9400] =	vst v63  }
0x76: {  	_ = 	snop  }
0x77: {  	[spmem:s4] =	stream.indirect.scatter.add.f32 [tilespmem:s14], [sflag:$0x3], $0x80, s13, s16, $0xb8;
	[tilespmem:$0x9400] =	vst v63  }
0x78: {  	_ =	swait.ge [sflag:s19], $0x2800  }
0x79: {  	[sflag:s19] =	ssyncset.done $0x0  }
0x7a: {  	[sflag:s19] =	ssyncadd.s32 $0xFFFFD800  }
0x7b: {  	_ =	swait.ge [sflag:s20], $0x2800  }
0x7c: {  	[sflag:s20] =	ssyncset.done $0x0  }
0x7d: {  	[sflag:s20] =	ssyncadd.s32 $0xFFFFD800  }
0x7e: {  	[tilespmem:s17], [sflag:$0x1] =	stream.indirect.gather [hbm4b:s15+s16], $0x80, s21, s16, $0xb8;
	[tilespmem:$0x9400] =	vst v63  }
0x7f: {  	_ =	swait.ge [sflag:s18], $0x2800  }
0x80: {  	[sflag:s18] =	ssyncset.done $0x0  }
0x81: {  	[sflag:s18] =	ssyncadd.s32 $0xFFFFD800  }
0x82: {  	[spmem:s3] =	stream.indirect.scatter.add.f32 [tilespmem:s17], [sflag:$0x2], $0x80, s22, s16, $0xb8;
	[tilespmem:$0x9400] =	vst v63  }
0x83: {  	_ = 	snop  }
0x84: {  	[spmem:s4] =	stream.indirect.scatter.add.f32 [tilespmem:s14], [sflag:$0x3], $0x80, s22, s16, $0xb8;
	[tilespmem:$0x9400] =	vst v63  }
0x85: {  	_ =	swait.ge [sflag:s19], $0x2800  }
0x86: {  	[sflag:s19] =	ssyncset.done $0x0  }
0x87: {  	[sflag:s19] =	ssyncadd.s32 $0xFFFFD800  }
0x88: {  	_ =	swait.ge [sflag:s20], $0x2800  }
0x89: {  	[sflag:s20] =	ssyncset.done $0x0  }
0x8a: {  	[sflag:s20] =	ssyncadd.s32 $0xFFFFD800  }
0x8b: {  	[tilespmem:s17], [sflag:$0x1] =	stream.indirect.gather [hbm4b:s15+s16], $0x80, s23, s16, $0xb8;
	[tilespmem:$0x9400] =	vst v63  }
0x8c: {  	_ =	swait.ge [sflag:s18], $0x2800  }
0x8d: {  	[sflag:s18] =	ssyncset.done $0x0  }
0x8e: {  	[sflag:s18] =	ssyncadd.s32 $0xFFFFD800  }
0x8f: {  	[spmem:s3] =	stream.indirect.scatter.add.f32 [tilespmem:s17], [sflag:$0x2], $0x80, s24, s16, $0xb8;
	[tilespmem:$0x9400] =	vst v63  }
0x90: {  	_ = 	snop  }
0x91: {  	[spmem:s4] =	stream.indirect.scatter.add.f32 [tilespmem:s14], [sflag:$0x3], $0x80, s24, s16, $0xb8;
	[tilespmem:$0x9400] =	vst v63  }
0x92: {  	_ =	swait.ge [sflag:s19], $0x2800  }
0x93: {  	[sflag:s19] =	ssyncset.done $0x0  }
0x94: {  	[sflag:s19] =	ssyncadd.s32 $0xFFFFD800  }
0x95: {  	_ =	swait.ge [sflag:s20], $0x2800  }
0x96: {  	[sflag:s20] =	ssyncset.done $0x0  }
0x97: {  	[sflag:s20] =	ssyncadd.s32 $0xFFFFD800  }
0x98: {  	[tilespmem:s17], [sflag:$0x1] =	stream.indirect.gather [hbm4b:s15+s16], $0x80, s25, s16, $0xb8;
	[tilespmem:$0x9400] =	vst v63  }
0x99: {  	_ =	swait.ge [sflag:s18], $0x2800  }
0x9a: {  	[sflag:s18] =	ssyncset.done $0x0  }
0x9b: {  	[sflag:s18] =	ssyncadd.s32 $0xFFFFD800  }
0x9c: {  	[spmem:s3] =	stream.indirect.scatter.add.f32 [tilespmem:s17], [sflag:$0x2], $0x80, s26, s16, $0xb8;
	[tilespmem:$0x9400] =	vst v63  }
0x9d: {  	_ = 	snop  }
0x9e: {  	[spmem:s4] =	stream.indirect.scatter.add.f32 [tilespmem:s14], [sflag:$0x3], $0x80, s26, s16, $0xb8;
	[tilespmem:$0x9400] =	vst v63  }
0x9f: {  	_ =	swait.ge [sflag:s19], $0x2800  }
0xa0: {  	[sflag:s19] =	ssyncset.done $0x0  }
0xa1: {  	[sflag:s19] =	ssyncadd.s32 $0xFFFFD800  }
0xa2: {  	_ =	swait.ge [sflag:s20], $0x2800  }
0xa3: {  	[sflag:s20] =	ssyncset.done $0x0  }
0xa4: {  	[sflag:s20] =	ssyncadd.s32 $0xFFFFD800  }
0xa5: {  	[bflag:$0x0] =	sbarrier.arrive $0xFFFF  }
0xa6: {  	[hbm:s28], [sflag:s7] =	dma.local [spmem:s9], $0x400  }
0xa7: {  	_ =	swait.ge [sflag:s8], $0x400  }
.Ltmp1:
0xa8: {  	[sflag:s8] =	ssyncset.done $0x0;
	(pc) =	sbr.rel @p0 .LBB2_1-.Ltmp1, $4  }
0xa9: {  	[sflag:s8] =	ssyncadd.s32 $0xFFFFFC00  }
0xaa: {  	[hbm:s29], [sflag:s7] =	dma.local [spmem:s10], $0x400  }
0xab: {  	_ =	swait.ge [sflag:s8], $0x400  }
0xac: {  	[sflag:s8] =	ssyncset.done $0x0  }
.LBB2_2:
0xad: {  	[sflag:s8] =	ssyncadd.s32 $0xFFFFFC00  }
0xae: {  	_ =	sfence.sel $0x180000  }
0xaf: {  	[bflag:$0x0] =	sbarrier.arrive $0xFFFF  }
0xb0: {  	p0 =	sne.s32 s2, $0x0;
	_ =	strace $0x9000004D  }
0xb1: {  	s0 =	sadd.s32 @!p0 $0x100000, s0;
	[bflag:$0x2] =	sbarrier.arrive $0xFFFF  }
0xb2: {  	[sflag:s0] =	ssyncadd.tile.s32 @!p0 $0x1;
	_ =	shalt  }
.Lfunc_end2:
_tile_overlayer_lowered:
.L_overlay_start_2:
0xb3: {  	(tag) =	ssettag $0x2  }
0xb4: {  	s0 =	rddreg [dreg:$0x0];
	s2 =	stileid.u32  }
0xb5: {  	s1 =	rddreg [dreg:$0x1];
	p0 =	sne.s32 s2, $0x0  }
0xb6: {  	s3 =	rddreg [dreg:$0x2];
	[bflag:$0x3] =	sbarrier.arrive $0xFFFF;
	s2 =	simm.s32 @!p0 $0x1C04  }
0xb7: {  	[timem:s3], [sflag:s2] =	dma.local @!p0 [hbm:s0], s1  }
0xb8: {  	s0 =	simm.s32 @!p0 $0x4  }
0xb9: {  	_ =	swait.ge @!p0 [sflag:s0], s1  }
0xba: {  	s1 =	ssub.s32 @!p0 $0x0, s1;
	[sflag:s0] =	ssyncset.done @!p0 $0x0  }
0xbb: {  	[sflag:s0] =	ssyncadd.s32 @!p0 s1  }
0xbc: {  	[bflag:$0x3] =	sbarrier.arrive $0xFFFF  }
0xbd: {  	_ =	shalt  }

// kernel: kernel.7.cloned.1.call-start
scs
__scs_entry_jumppad:
0x0: {  	(pc) =	sbr.rel $0x88, $3  }
0x1: {  	(tag) =	ssettag $0x0;
	lr =	simm.s32 $0x1  }
0x2: {  	[smem:$0x3F96] =	sst lr;
	_ =	strace $0xD0000000  }
0x3: {  	_ = 	snop  }
0x4: {  	_ = 	snop  }
0x5: {  	_ = 	snop  }
0x6: {  	_ = 	snop  }
0x7: {  	_ = 	snop  }
__scs_overlays_trampoline_lowered:
0x8: {  	[smem:$0x3FA5] =	sst s0  }
0x9: {  	[smem:$0x3FA6] =	sst s1  }
0xa: {  	[smem:$0x3FA7] =	sst s2  }
0xb: {  	[smem:$0x3FA8] =	sst s3  }
0xc: {  	[smem:$0x3FA9] =	sst s4  }
0xd: {  	[smem:$0x3FAA] =	sst s5  }
0xe: {  	[smem:$0x3FAB] =	sst s6  }
0xf: {  	[smem:$0x3FAC] =	sst s7  }
0x10: {  	[smem:$0x3FAD] =	sst s8  }
0x11: {  	[smem:$0x3FAE] =	sst s9;
	s0 =	simm.s32 @!p0 $0x0  }
0x12: {  	s1 =	sld [smem:$0x3F94];
	s0 =	simm.s32 @p0 $0x1  }
0x13: {  	[smem:$0x3FAF] =	sst s0;
	s0 =	simm.s32 @!p1 $0x0  }
0x14: {  	s2 =	sld [smem:$0x3F93];
	s0 =	simm.s32 @p1 $0x1  }
0x15: {  	[smem:$0x3FB0] =	sst s0;
	s0 =	simm.s32 @!p2 $0x0  }
0x16: {  	s3 =	sld [smem:$0x3FDB];
	s0 =	simm.s32 @p2 $0x1  }
0x17: {  	s4 =	simm.s32 $0x1BF5;
	[smem:$0x3FB2] =	sst s0  }
0x18: {  	s0 =	sld [smem:$0x3F95];
	_ =	swait.ge [sflag:s4], $0x0  }
0x19: {  	s7 =	sld [smem:$0x3F96]  }
0x1a: {  	s8 =	sadd.s32 $0xFFFFE003, lr  }
0x1b: {  	s9 =	sadd.s32 $0xFFFFFEF7, lr;
	s5 =	simm.s32 $0xFFFFFFFF;
	p2 =	slt.u32 s8, $0xFFFFF086  }
0x1c: {  	p1 =	slt.u32 s9, $0xF7A;
	s5 =	simm.s32 @!p2 $0x0  }
0x1d: {  	s5 =	simm.s32 @p1 $0x1;
	p0 =	seq.s32 s7, s2  }
0x1e: {  	s7 =	smul.u32 @!p0 $0xF7A, s2;
	p2 =	seq.s32 @!p0 s5, $0x0  }
0x1f: {  	s9 =	smul.u32 $0xF7A, s1;
	s8 =	simm.s32 @!p0 $0x1BF5;
	p2 =	por !p2, p0  }
0x20: {  	[sflag:s8] =	ssyncset.s32 @!p0 $0xFFFFF086;
	s6 =	sadd.s32 @!p0 s3, s7;
	s7 =	simm.s32 @!p0 $0x108  }
0x21: {  	s3 =	sadd.s32 s3, s9;
	s6 =	sadd.s32 @!p0 $0x88, s6;
	s7 =	simm.s32 @p2 $0x1082  }
0x22: {  	[simem:s7], [sflag:s8] =	dma.local @!p0 [hbm:s6], $0xF7A  }
0x23: {  	s9 =	sor.u32 $0xD0000000, s2;
	s6 =	simm.s32 $0x108;
	_ =	swait.ge @!p0 [sflag:s8], $0x0  }
0x24: {  	s3 =	sadd.s32 $0x88, s3;
	s6 =	simm.s32 @!p1 $0x1082;
	[sflag:s4] =	ssyncset.s32 $0xFFFFF086  }
0x25: {  	[simem:s6], [sflag:s4] =	dma.local [hbm:s3], $0xF7A  }
0x26: {  	[smem:$0x3F96] =	sst s1;
	(tag) =	ssettag s2;
	_ =	strace s9  }
0x27: {  	s1 =	sld [smem:$0x3FA6]  }
0x28: {  	s2 =	sld [smem:$0x3FA7]  }
0x29: {  	s4 =	sld [smem:$0x3FA9]  }
0x2a: {  	p0 =	seq.s32 s5, $0x0;
	s5 =	sld [smem:$0x3FAA]  }
0x2b: {  	s6 =	sld [smem:$0x3FAB]  }
0x2c: {  	s7 =	sld [smem:$0x3FAC]  }
0x2d: {  	s3 =	simm.s32 $0x108;
	s8 =	sld [smem:$0x3FAD]  }
0x2e: {  	s3 =	simm.s32 @!p0 $0x1082;
	s9 =	sld [smem:$0x3FAE]  }
0x2f: {  	lr =	sadd.s32 s0, s3;
	s0 =	sld [smem:$0x3FA5]  }
0x30: {  	s3 =	sld [smem:$0x3FA8]  }
0x31: {  	[smem:$0x3FB1] =	sst s10  }
0x32: {  	s10 =	sld [smem:$0x3FAF];
	_ =	sdelay $0x3  }
0x33: {  	p0 =	seq.s32 s10, $0x1;
	s10 =	sld [smem:$0x3FB1];
	_ =	sdelay $0x3  }
0x34: {  	[smem:$0x3FB1] =	sst s10  }
0x35: {  	s10 =	sld [smem:$0x3FB0];
	_ =	sdelay $0x3  }
0x36: {  	p1 =	seq.s32 s10, $0x1;
	s10 =	sld [smem:$0x3FB1];
	_ =	sdelay $0x3  }
0x37: {  	[smem:$0x3FB1] =	sst s10  }
0x38: {  	s10 =	sld [smem:$0x3FB2]  }
0x39: {  	_ = 	snop;
	(pc) =	sbr.ind lr, $3  }
0x3a: {  	_ = 	snop  }
0x3b: {  	_ = 	snop  }
0x3c: {  	p2 =	seq.s32 s10, $0x1;
	s10 =	sld [smem:$0x3FB1]  }
0x3d: {  	_ =	shalt  }
0x3e: {  	_ =	shalt  }
0x3f: {  	_ =	shalt  }
0x40: {  	_ =	shalt  }
0x41: {  	_ =	shalt  }
0x42: {  	_ =	shalt  }
0x43: {  	_ =	shalt  }
0x44: {  	_ =	shalt  }
0x45: {  	_ =	shalt  }
0x46: {  	_ =	shalt  }
0x47: {  	_ =	shalt  }
0x48: {  	_ =	shalt  }
0x49: {  	_ =	shalt  }
0x4a: {  	_ =	shalt  }
0x4b: {  	_ =	shalt  }
0x4c: {  	_ =	shalt  }
0x4d: {  	_ =	shalt  }
0x4e: {  	_ =	shalt  }
0x4f: {  	_ =	shalt  }
0x50: {  	_ =	shalt  }
0x51: {  	_ =	shalt  }
0x52: {  	_ =	shalt  }
0x53: {  	_ =	shalt  }
0x54: {  	_ =	shalt  }
0x55: {  	_ =	shalt  }
0x56: {  	_ =	shalt  }
0x57: {  	_ =	shalt  }
0x58: {  	_ =	shalt  }
0x59: {  	_ =	shalt  }
0x5a: {  	_ =	shalt  }
0x5b: {  	_ =	shalt  }
0x5c: {  	_ =	shalt  }
0x5d: {  	_ =	shalt  }
0x5e: {  	_ =	shalt  }
0x5f: {  	_ =	shalt  }
0x60: {  	_ =	shalt  }
0x61: {  	_ =	shalt  }
0x62: {  	_ =	shalt  }
0x63: {  	_ =	shalt  }
0x64: {  	_ =	shalt  }
0x65: {  	_ =	shalt  }
0x66: {  	_ =	shalt  }
0x67: {  	_ =	shalt  }
0x68: {  	_ =	shalt  }
0x69: {  	_ =	shalt  }
0x6a: {  	_ =	shalt  }
0x6b: {  	_ =	shalt  }
0x6c: {  	_ =	shalt  }
0x6d: {  	_ =	shalt  }
0x6e: {  	_ =	shalt  }
0x6f: {  	_ =	shalt  }
0x70: {  	_ =	shalt  }
0x71: {  	_ =	shalt  }
0x72: {  	_ =	shalt  }
0x73: {  	_ =	shalt  }
0x74: {  	_ =	shalt  }
0x75: {  	_ =	shalt  }
0x76: {  	_ =	shalt  }
0x77: {  	_ =	shalt  }
0x78: {  	_ =	shalt  }
0x79: {  	_ =	shalt  }
0x7a: {  	_ =	shalt  }
0x7b: {  	_ =	shalt  }
0x7c: {  	_ =	shalt  }
0x7d: {  	_ =	shalt  }
0x7e: {  	_ =	shalt  }
0x7f: {  	_ =	shalt  }
0x80: {  	_ =	shalt  }
0x81: {  	_ =	shalt  }
0x82: {  	_ =	shalt  }
0x83: {  	_ =	shalt  }
0x84: {  	_ =	shalt  }
0x85: {  	_ =	shalt  }
0x86: {  	_ =	shalt  }
0x87: {  	_ =	shalt  }
.Lfunc_end0:
.L_simem_size_0:
called_computation_lowered:
.L_overlay_start_0:
0x88: {  	s2 =	sld [smem:$0x3FD9]  }
0x89: {  	s3 =	sld [smem:$0x3FFE];
	_ =	sdelay $0x1  }
0x8a: {  	s1 =	srdreg.scid  }
0x8b: {  	s0 =	sand.u32 $0x1, s1  }
0x8c: {  	s17 =	sshll.u32 s0, $0xA;
	s2 =	sadd.s32 s3, s2  }
0x8d: {  	s2 =	sadd.s32 s2, s17  }
0x8e: {  	[smem:$0x3FBD] =	sst s2  }
0x8f: {  	_ = 	snop  }
0x90: {  	s2 =	sld [smem:$0x3FC9];
	(tm) =	ssettm $0x1  }
0x91: {  	s18 =	sld [smem:$0x3FFB];
	_ =	sdelay $0x3  }
0x92: {  	_ =	strace s18  }
0x93: {  	s3 =	sld [smem:$0x3FFC];
	_ =	sdelay $0x3  }
0x94: {  	_ =	strace s3  }
0x95: {  	s3 =	sld [smem:$0x3FFD];
	_ =	sdelay $0x3  }
0x96: {  	_ =	strace s3  }
0x97: {  	_ =	strace $0x8FFFFFFF  }
0x98: {  	s19 =	sld [smem:$0x3FDB];
	_ =	sdelay $0x1  }
0x99: {  	s4 =	simm.s32 $_scs_section_size  }
0x9a: {  	s5 =	simm.s32 $_size__tile_overlayer_lowered;
	s6 =	simm.s32 $_tile_overlayer_lowered  }
0x9b: {  	s22 =	simm.s32 $0x1BFF;
	s21 =	sshll.u32 s6, $0x1;
	s3 =	sadd.s32 s4, s19  }
0x9c: {  	s7 =	simm.s32 $0x0;
	s20 =	sshll.u32 s5, $0x1;
	s5 =	sadd.s32 s21, s3  }
0x9d: {  	[timem:s7], [sflag:s22] =	dma.local [hbm:s5], s20  }
0x9e: {  	_ =	swait.ge [sflag:s22], s20  }
0x9f: {  	s4 =	ssub.s32 $0x0, s20;
	[sflag:s22] =	ssyncset.done $0x0  }
0xa0: {  	[sflag:s22] =	ssyncadd.s32 s4;
	_ =	sdelay $0x1  }
0xa1: {  	s23 =	simm.s32 $0x1B8B  }
0xa2: {  	_ =	swait.ge [sflag:s23], $0x1  }
0xa3: {  	[sflag:s23] =	ssyncset.done $0x0  }
0xa4: {  	s25 =	simm.s32 $0x1B8E;
	s24 =	sld [smem:$0x3FFE];
	[sflag:s23] =	ssyncadd.s32 $0xFFFFFFFF  }
0xa5: {  	s26 =	simm.s32 $execute0_lowered;
	[smem:$0x3FD2] =	sst s25  }
0xa6: {  	s5 =	sshll.u32 s26, $0x1;
	_ =	strace $0x80000046;
	[dreg:$0x1] =	wrdreg $0xFFFFFFFF  }
0xa7: {  	s28 =	simm.s32 $_size_execute0_lowered;
	s3 =	sadd.s32 s3, s5;
	[dreg:$0x0] =	wrdreg $0x0  }
0xa8: {  	s5 =	sshll.u32 s28, $0x1;
	[dreg:$0x2] =	wrdreg s3  }
0xa9: {  	[dreg:$0x3] =	wrdreg s5  }
0xaa: {  	[dreg:$0x4] =	wrdreg $0xC0  }
0xab: {  	_ =	task [dreg:s7], $0x5FFFF  }
0xac: {  	[dreg:$0x1] =	wrdreg $0xFFFFFFFF  }
0xad: {  	[dreg:$0x0] =	wrdreg $0x60  }
0xae: {  	[dreg:$0x2] =	wrdreg s2  }
0xaf: {  	[dreg:$0x3] =	wrdreg s24  }
0xb0: {  	[dreg:$0x4] =	wrdreg $0xC0000  }
0xb1: {  	[dreg:$0x5] =	wrdreg $0x9  }
0xb2: {  	_ =	task.clear_ibuf [dreg:s7], $0x6FFFF;
	_ =	strace $0x90000046  }
0xb3: {  	s29 =	simm.s32 $0x9;
	_ =	strace $0x80000048  }
0xb4: {  	_ =	swait.ge [sflag:s29], $0x1  }
0xb5: {  	[sflag:s29] =	ssyncadd.s32 $0xFFFFFFFF  }
0xb6: {  	_ =	strace $0x90000048  }
0xb7: {  	_ =	sfence  }
0xb8: {  	s30 =	sld [smem:$0x0];
	_ =	sdelay $0x2  }
0xb9: {  	s31 =	sshll.u32 s1, $0xD;
	s1 =	sshrl.u32 s1, $0x2  }
0xba: {  	s3 =	sand.u32 $0x4000, s31;
	s1 =	sadd.s32 s1, s30  }
0xbb: {  	s0 =	sor.u32 s3, s0;
	s1 =	sshll.u32 s1, $0x11  }
0xbc: {  	s0 =	sor.u32 s1, s0  }
0xbd: {  	s0 =	sadd.s32 $0x8F2B, s0  }
0xbe: {  	[sflag:s0] =	ssyncadd.remote.s32 $0x1  }
0xbf: {  	_ =	sfence.sel $0xFFFF  }
0xc0: {  	[dreg:$0x0] =	wrdreg $0xFFFFFFFF;
	(pc) =	sbr.abs _section_cstart, $3  }
0xc1: {  	[dreg:$0x1] =	wrdreg $0xFFFFFFFF  }
0xc2: {  	_ =	task.clear_ibuf [dreg:s7], $0x2FFFF;
	_ =	strace $0x9FFFFFFF  }
0xc3: {  	(tm) =	ssettm $0x7FFFFFFF  }
tec
execute0_lowered:
.L_overlay_start_1:
0x0: {  	(tag) =	ssettag $0x1  }
0x1: {  	s1 =	rddreg [dreg:$0x0]  }
0x2: {  	s5 =	rddreg [dreg:$0x1]  }
0x3: {  	s3 =	rddreg [dreg:$0x2]  }
0x4: {  	s0 =	rddreg [dreg:$0x3];
	s6 =	srdreg.scid  }
0x5: {  	s4 =	simm.s32 $0x0;
	s2 =	stileid.u32;
	s14 =	simm.s32 $0x4000  }
0x6: {  	s15 =	simm.s32 $0x1;
	s16 =	simm.s32 $0x3F80;
	s17 =	simm.s32 $0x0  }
0x7: {  	s6 =	sand.u32 $0x1, s6;
	s7 =	sshll.u32 s2, $0xB;
	s9 =	smul.u32 $0x14000, s2  }
0x8: {  	[smem:$0x7FF] =	sst s4;
	s29 =	smul.u32 $0x50000, s2;
	s31 =	sshll.u32 s2, $0x6  }
0x9: {  	s8 =	sshll.u32 s6, $0xA;
	s26 =	smul.u32 $0x140000, s6;
	_ =	strace $0x80000047  }
0xa: {  	s6 =	ssub.s32 $0x2, s6;
	s7 =	sor.u32 s8, s7;
	s28 =	sshrl.u32 s9, $0x3  }
0xb: {  	s11 =	sshrl.u32 s6, $0x1;
	s30 =	sshrl.u32 s29, $0x2;
	s10 =	sadd.s32 s7, s5  }
0xc: {  	s8 =	sadd.s32 s9, s26;
	s7 =	sadd.s32 s28, s5;
	s11 =	ssub.s32 s6, s11  }
0xd: {  	s13 =	sadd.s32 s30, s3;
	s6 =	sor.u32 $0x1C02, s31;
	s8 =	sshrl.u32 s8, $0x3  }
0xe: {  	s12 =	sadd.s32 s8, s5;
	s5 =	sadd.s32 $0x13000, s7;
	s7 =	sadd.s32 $0xB000, s10  }
0xf: {  	s8 =	sadd.s32 $0x3000, s10;
	s10 =	smax.u32 s11, $0x1;
	s11 =	sshrl.u32 s13, $0x3  }
0x10: {  	s13 =	simm.s32 $0x7D;
	s9 =	sadd.s32 $0x3B000, s12;
	s12 =	simm.s32 $0x2  }
.LBB2_1:
0x11: {  	[spmem:s11], [sflag:s6] =	dma.local [hbm:s5], $0x2800  }
0x12: {  	_ =	swait.ge [sflag:s12], $0x2800  }
0x13: {  	[sflag:s12] =	ssyncset.done $0x0  }
0x14: {  	[sflag:s12] =	ssyncadd.s32 $0xFFFFD800  }
0x15: {  	[tilespmem:s4], [sflag:$0x2] =	stream.linear.gather [hbm4b:s7+s4], $0x2000, $0x38;
	v63 =	vld [tilespmem:$0x0]  }
0x16: {  	_ =	swait.ge [sflag:s12], $0x2000  }
0x17: {  	[sflag:s12] =	ssyncset.done $0x0  }
0x18: {  	s18 =	simm.s32 $0x2000;
	[sflag:s12] =	ssyncadd.s32 $0xFFFFE000  }
0x19: {  	[tilespmem:s18], [sflag:$0x2] =	stream.linear.gather [hbm4b:s8+s4], $0x2000, $0x38;
	v63 =	vld [tilespmem:$0x0]  }
0x1a: {  	_ =	swait.ge [sflag:s12], $0x2000  }
0x1b: {  	[sflag:s12] =	ssyncset.done $0x0  }
0x1c: {  	[sflag:s12] =	ssyncadd.s32 $0xFFFFE000  }
0x1d: {  	s19 =	simm.s32 $0x10000;
	s20 =	simm.s32 $0x20000;
	[bflag:$0x0] =	sbarrier.arrive $0xFFFF  }
0x1e: {  	[tilespmem:s14], [sflag:$0x1] =	stream.indirect.gather [hbm4b:s1+s13], $0x80, s4, s13, $0xb8;
	v63 =	vld [tilespmem:$0x0]  }
0x1f: {  	s21 =	sand.u32 $0x10000, s19;
	s19 =	simm.s32 $0x80;
	_ =	swait.ge [sflag:s15], $0x3E80  }
0x20: {  	s20 =	sand.u32 $0x10000, s20;
	s21 =	sshrl.u32 s21, $0x2;
	[sflag:s15] =	ssyncset.done $0x0  }
0x21: {  	s20 =	sshrl.u32 s20, $0x2;
	s21 =	sadd.s32 $0x4000, s21;
	[sflag:s15] =	ssyncadd.s32 $0xFFFFC180  }
0x22: {  	[tilespmem:s21], [sflag:$0x1] =	stream.indirect.gather [hbm4b:s1+s13], $0x80, s19, s13, $0xb8;
	v63 =	vld [tilespmem:$0x0]  }
0x23: {  	s20 =	sadd.s32 $0x4000, s20  }
0x24: {  	[spmem:s3] =	stream.indirect.scatter.add.f32 [tilespmem:s20], [sflag:$0x2], $0x80, s18, s13, $0xb8;
	v63 =	vld [tilespmem:$0x0]  }
0x25: {  	s20 =	simm.s32 $0x30000;
	_ =	swait.ge [sflag:s12], $0x3E80  }
.LBB2_2:
0x26: {  	[sflag:s12] =	ssyncset.done $0x0  }
0x27: {  	s18 =	sadd.s32 $0x80, s18;
	s19 =	sadd.s32 $0x80, s19;
	s22 =	smov.u32 s20  }
0x28: {  	s21 =	sadd.s32 $0xFFFF0000, s20;
	p0 =	sne.s32 s20, $0x400000;
	[sflag:s12] =	ssyncadd.s32 $0xFFFFC180  }
0x29: {  	s20 =	sadd.s32 $0x10000, s20;
	s21 =	sand.u32 $0x10000, s21;
	_ =	swait.ge [sflag:s15], $0x3E80  }
0x2a: {  	s21 =	sshrl.u32 s21, $0x2;
	[sflag:s15] =	ssyncset.done $0x0  }
0x2b: {  	s22 =	sand.u32 $0x10000, s22;
	s21 =	sadd.s32 $0x4000, s21;
	[sflag:s15] =	ssyncadd.s32 $0xFFFFC180  }
0x2c: {  	[tilespmem:s21], [sflag:$0x1] =	stream.indirect.gather [hbm4b:s1+s13], $0x80, s19, s13, $0xb8;
	v63 =	vld [tilespmem:$0x0]  }
.Ltmp0:
0x2d: {  	_ = 	snop;
	(pc) =	sbr.rel @p0 .LBB2_2-.Ltmp0, $4  }
0x2e: {  	s22 =	sshrl.u32 s22, $0x2  }
0x2f: {  	s22 =	sadd.s32 $0x4000, s22  }
0x30: {  	[spmem:s3] =	stream.indirect.scatter.add.f32 [tilespmem:s22], [sflag:$0x2], $0x80, s18, s13, $0xb8;
	v63 =	vld [tilespmem:$0x0]  }
0x31: {  	_ =	swait.ge [sflag:s12], $0x3E80  }
0x32: {  	[sflag:s12] =	ssyncset.done $0x0  }
0x33: {  	[sflag:s12] =	ssyncadd.s32 $0xFFFFC180  }
0x34: {  	_ =	swait.ge [sflag:s15], $0x3E80  }
0x35: {  	[sflag:s15] =	ssyncset.done $0x0  }
0x36: {  	[sflag:s15] =	ssyncadd.s32 $0xFFFFC180  }
0x37: {  	[spmem:s3] =	stream.indirect.scatter.add.f32 [tilespmem:s21], [sflag:$0x2], $0x80, s16, s13, $0xb8;
	v63 =	vld [tilespmem:$0x0]  }
0x38: {  	_ =	swait.ge [sflag:s12], $0x3E80  }
0x39: {  	s17 =	sadd.s32 $0x1, s17;
	[sflag:s12] =	ssyncset.done $0x0  }
0x3a: {  	p0 =	sne.s32 s17, s10;
	[sflag:s12] =	ssyncadd.s32 $0xFFFFC180  }
.Ltmp1:
0x3b: {  	[bflag:$0x0] =	sbarrier.arrive $0xFFFF;
	(pc) =	sbr.rel @p0 .LBB2_1-.Ltmp1, $4  }
0x3c: {  	[hbm:s9], [sflag:s6] =	dma.local [spmem:s11], $0x2800  }
0x3d: {  	_ =	swait.ge [sflag:s12], $0x2800  }
0x3e: {  	[sflag:s12] =	ssyncset.done $0x0  }
0x3f: {  	[sflag:s12] =	ssyncadd.s32 $0xFFFFD800  }
0x40: {  	_ =	sfence.sel $0x180000  }
0x41: {  	[bflag:$0x0] =	sbarrier.arrive $0xFFFF  }
0x42: {  	p0 =	sne.s32 s2, $0x0;
	_ =	strace $0x90000047  }
0x43: {  	s0 =	sadd.s32 @!p0 $0x100000, s0;
	[bflag:$0x2] =	sbarrier.arrive $0xFFFF  }
0x44: {  	[sflag:s0] =	ssyncadd.tile.s32 @!p0 $0x1;
	_ =	shalt  }
.Lfunc_end2:
_tile_overlayer_lowered:
.L_overlay_start_2:
0x45: {  	(tag) =	ssettag $0x2  }
0x46: {  	s0 =	rddreg [dreg:$0x0];
	s2 =	stileid.u32  }
0x47: {  	s1 =	rddreg [dreg:$0x1];
	p0 =	sne.s32 s2, $0x0  }
0x48: {  	s3 =	rddreg [dreg:$0x2];
	[bflag:$0x3] =	sbarrier.arrive $0xFFFF;
	s2 =	simm.s32 @!p0 $0x1C02  }
0x49: {  	[timem:s3], [sflag:s2] =	dma.local @!p0 [hbm:s0], s1  }
0x4a: {  	s0 =	simm.s32 @!p0 $0x2  }
0x4b: {  	_ =	swait.ge @!p0 [sflag:s0], s1  }
0x4c: {  	s1 =	ssub.s32 @!p0 $0x0, s1;
	[sflag:s0] =	ssyncset.done @!p0 $0x0  }
0x4d: {  	[sflag:s0] =	ssyncadd.s32 @!p0 s1  }
0x4e: {  	[bflag:$0x3] =	sbarrier.arrive $0xFFFF  }
0x4f: {  	_ =	shalt  }

</sc_bundles>
